<compile_context>
chip_gen: v7x
topology: tpu7x:2x2x1
jax: 0.10.2.dev20260603
libtpu: 0.0.44.dev20260713+nightly
codegen_flags: <defaults>
</compile_context>

<pallas_src>
import jax
import jax.numpy as jnp
from jax import lax
from jax.experimental import pallas as pl
from jax.experimental.pallas import tpu as pltpu
from jax.experimental.pallas import tpu_sc as plsc

_E = 8
_EMB = 768
_B = 16
_H = 256
_W = 320
_P = 16
_NP = (_H // _P) * (_W // _P)
_PATCH = 3 * _P * _P
_EPS = 2.220446049250313e-16


def _im2col_logits_body(x_ref, rv_ref, rb_ref, wg_ref, pat_ref, logits_t_ref,
                        acc_ref):
    b = pl.program_id(0)
    xb = x_ref[0].reshape(3, _H, _W)
    rows = []
    for gh in range(_H // _P):
        slab = xb[:, gh * _P:(gh + 1) * _P, :].reshape(3 * _P, _W)
        t = slab.T.reshape(_W // _P, _P, 3 * _P)
        rows.append(t.transpose(0, 2, 1).reshape(_W // _P, _PATCH))
    pat = jnp.concatenate(rows, axis=0)
    pat_ref[...] = pat
    feat = jnp.dot(pat, rv_ref[...],
                   preferred_element_type=jnp.float32) + rb_ref[0, 0]
    row = lax.dot_general(feat, wg_ref[...], (((0,), (0,)), ((), ())),
                          preferred_element_type=jnp.float32)
    acc_ref[pl.ds(b, 1), :] = row
    @pl.when(b == _B - 1)
    def _():
        logits_t_ref[...] = acc_ref[...].T


def _lane_gather(x, idx):
    return lax.gather(
        x, idx[:, None],
        lax.GatherDimensionNumbers(offset_dims=(), collapsed_slice_dims=(0,),
                                   start_index_map=(0,)),
        slice_sizes=(1,),
        mode=lax.GatherScatterMode.PROMISE_IN_BOUNDS)


def _bcast_lane(x, j):
    return _lane_gather(x, jnp.full((16,), j, jnp.int32))


def _route_body(logits_t_hbm, perm_out, eidx_out, loss_out, lbuf, perm_v,
                eidx_v, loss_v):
    @pl.when((lax.axis_index("c") == 0) & (lax.axis_index("s") == 0))
    def _():
        pltpu.sync_copy(logits_t_hbm, lbuf)
        lane = lax.iota(jnp.int32, 16)
        best = lbuf[0]
        bestidx = jnp.zeros((16,), jnp.int32)
        for e in range(1, _E):
            v = lbuf[e]
            gt = v > best
            best = jnp.where(gt, v, best)
            bestidx = jnp.where(gt, e, bestidx)
        counts_f = jnp.zeros((16,), jnp.float32)
        rank = jnp.zeros((16,), jnp.int32)
        for bp in range(_B):
            eb = _bcast_lane(bestidx, bp)
            counts_f = counts_f + jnp.where(lane == eb, 1.0, 0.0)
            before = (eb < bestidx) | ((eb == bestidx) & (bp < lane))
            rank = rank + jnp.where(before, 1, 0)
        perm = jnp.zeros((16,), jnp.int32)
        for bp in range(_B):
            rb = _bcast_lane(rank, bp)
            perm = jnp.where(lane == rb, bp, perm)
        eidx_sorted = _lane_gather(bestidx, perm)
        mean = _B / _E
        diff = jnp.where(lane < _E, counts_f - mean, 0.0)
        dsq = diff * diff
        tot = jnp.zeros((16,), jnp.float32)
        for e in range(_E):
            tot = tot + _bcast_lane(dsq, e)
        loss = tot * jnp.float32(2.0 / ((_E - 1) * (mean * mean + 1e-10)))
        perm_v[...] = perm
        eidx_v[...] = eidx_sorted
        loss_v[...] = loss
        pltpu.sync_copy(perm_v, perm_out)
        pltpu.sync_copy(eidx_v, eidx_out)
        pltpu.sync_copy(loss_v, loss_out)


def _dispatch_body(perm_ref, eidx_ref, p_ref, w_ref, b_ref, out_ref):
    w = w_ref[0].reshape(_PATCH, _EMB)
    y = jnp.dot(p_ref[...], w,
                preferred_element_type=jnp.float32) + b_ref[0]
    out_ref[...] = jnp.where(y == 0.0, jnp.float32(_EPS), y)


def kernel(x, router_w, router_b, expert_w, expert_b, w_gate, w_noise):
    rv = router_w.reshape(1, _PATCH).T
    w_e = expert_w.transpose(0, 2, 3, 4, 1)

    patches, logits_t = pl.pallas_call(
        _im2col_logits_body,
        grid=(_B,),
        in_specs=[
            pl.BlockSpec((1, 3 * _H, _W), lambda b: (b, 0, 0)),
            pl.BlockSpec((_PATCH, 1), lambda b: (0, 0)),
            pl.BlockSpec((1, 1), lambda b: (0, 0)),
            pl.BlockSpec((_NP, _E), lambda b: (0, 0)),
        ],
        out_specs=(
            pl.BlockSpec((_NP, _PATCH), lambda b: (b, 0)),
            pl.BlockSpec((_E, _B), lambda b: (0, 0)),
        ),
        out_shape=(
            jax.ShapeDtypeStruct((_B * _NP, _PATCH), jnp.float32),
            jax.ShapeDtypeStruct((_E, _B), jnp.float32),
        ),
        scratch_shapes=[pltpu.VMEM((_B, _E), jnp.float32)],
    )(x.reshape(_B, 3 * _H, _W), rv, router_b.reshape(1, 1), w_gate)

    route = pl.kernel(
        _route_body,
        out_type=(
            jax.ShapeDtypeStruct((_B,), jnp.int32),
            jax.ShapeDtypeStruct((_B,), jnp.int32),
            jax.ShapeDtypeStruct((_B,), jnp.float32),
        ),
        mesh=plsc.VectorSubcoreMesh(core_axis_name="c", subcore_axis_name="s"),
        scratch_types=[
            pltpu.VMEM((_E, _B), jnp.float32),
            pltpu.VMEM((_B,), jnp.int32),
            pltpu.VMEM((_B,), jnp.int32),
            pltpu.VMEM((_B,), jnp.float32),
        ],
    )
    perm, eidx_sorted, loss_v = route(logits_t)

    out = pl.pallas_call(
        _dispatch_body,
        grid_spec=pltpu.PrefetchScalarGridSpec(
            num_scalar_prefetch=2,
            grid=(_B,),
            in_specs=[
                pl.BlockSpec((_NP, _PATCH),
                             lambda r, perm_ref, eidx_ref: (perm_ref[r], 0)),
                pl.BlockSpec((1, 3, _P, _P, _EMB),
                             lambda r, perm_ref, eidx_ref:
                             (eidx_ref[r], 0, 0, 0, 0)),
                pl.BlockSpec((1, 1, _EMB),
                             lambda r, perm_ref, eidx_ref: (eidx_ref[r], 0, 0)),
            ],
            out_specs=pl.BlockSpec((_NP, _EMB),
                                   lambda r, perm_ref, eidx_ref: (perm_ref[r], 0)),
        ),
        out_shape=jax.ShapeDtypeStruct((_B * _NP, _EMB), jnp.float32),
    )(perm, eidx_sorted, patches, w_e, expert_b.reshape(_E, 1, _EMB))
    return out.reshape(_B, _NP, _EMB), loss_v[0]

# --- scband reference (transcript-rebuilt; emitter-appended) ---
"""Pipeline reference for scband-mo-e-62139586839405 (READ-ONLY COPY).

The authoritative reference and input builder live on the scoring server;
editing this copy changes nothing except your own understanding.
"""

import jax, jax.numpy as jnp
import numpy as np

E = 8
K = 1
EMB = 768
B = 16
H = 256
W = 320
P = 16
NP = (H // P) * (W // P)  # 320 patches, matches w_gate[320, E]


def setup_inputs(seed: int = 0) -> dict:
    key = jax.random.key(seed)
    ks = jax.random.split(key, 6)
    x = jax.random.normal(ks[0], (B, 3, H, W), dtype=jnp.float32)
    # router PatchEmbed (embed_dim=1)
    router_w = jax.random.normal(ks[1], (1, 3, P, P), dtype=jnp.float32) * 0.02
    router_b = jnp.zeros((1,), dtype=jnp.float32)
    # E expert PatchEmbeds (embed_dim=768)
    expert_w = jax.random.normal(ks[2], (E, EMB, 3, P, P), dtype=jnp.float32) * 0.02
    expert_b = jnp.zeros((E, EMB), dtype=jnp.float32)
    # gating parameters (nn.Parameter(torch.zeros(320, E)); random init for nontrivial routing)
    w_gate = jax.random.normal(ks[3], (NP, E), dtype=jnp.float32) * 0.02
    w_noise = jnp.zeros((NP, E), dtype=jnp.float32)
    return {"x": x, "router_w": router_w, "router_b": router_b,
            "expert_w": expert_w, "expert_b": expert_b,
            "w_gate": w_gate, "w_noise": w_noise}


def _patch_embed(x, w, b):
    # Conv2d(kernel=P, stride=P) then flatten(2).transpose(1,2)
    y = jax.lax.conv_general_dilated(
        x, w, window_strides=(P, P), padding='VALID',
        dimension_numbers=('NCHW', 'OIHW', 'NCHW'))
    y = y + b[None, :, None, None]
    Bv, C, Gh, Gw = y.shape
    return y.reshape(Bv, C, Gh * Gw).transpose(0, 2, 1)  # [B, NP, C]


def _cv_squared(v):
    eps = 1e-10
    return jnp.var(v, ddof=1) / (jnp.mean(v) ** 2 + eps)


def reference(x, router_w, router_b, expert_w, expert_b, w_gate, w_noise):
    # --- noisy top-k gating (eval mode: clean logits) ---
    feat = _patch_embed(x, router_w, router_b)[..., 0]        # [B, 320]
    clean_logits = feat @ w_gate                              # [B, E]
    logits = clean_logits
    top_logits, top_idx = jax.lax.top_k(logits, K + 1)
    top_k_logits = top_logits[:, :K]
    top_k_idx = top_idx[:, :K]
    top_k_gates = jax.nn.softmax(top_k_logits, axis=1)
    bsz = logits.shape[0]
    gates = jnp.zeros_like(logits).at[jnp.arange(bsz)[:, None], top_k_idx].set(top_k_gates)
    importance = gates.sum(0)
    load = (gates > 0).sum(0).astype(jnp.float32)
    loss = _cv_squared(importance) + _cv_squared(load)
    # --- dispatch/combine (dense-equivalent of SparseDispatcher) ---
    outs = jax.vmap(lambda we, be: _patch_embed(x, we, be))(expert_w, expert_b)  # [E, B, NP, EMB]
    combined = jnp.einsum('be,ebnd->bnd', gates, outs)        # weighted sum over experts
    combined = jnp.where(combined == 0, jnp.float32(np.finfo(float).eps), combined)
    return combined, loss

if __name__ == "__main__":
    import jax
    _d = setup_inputs()
    print(jax.jit(kernel)(*tuple(_d.values())))

</pallas_src>

<mosaic_0001>
#map = affine_map<(d0, d1) -> (0, 0)>
#map1 = affine_map<(d0, d1) -> (0)>
module attributes {stable_mosaic.version = 14 : i64} {
  func.func @_route_body(%arg0: i32, %arg1: i32, %arg2: memref<8x16xf32, #tpu.memory_space<hbm>>, %arg3: memref<16xi32, #tpu.memory_space<hbm>>, %arg4: memref<16xi32, #tpu.memory_space<hbm>>, %arg5: memref<16xf32, #tpu.memory_space<hbm>>, %arg6: memref<8x16xf32, #tpu.memory_space<vmem>>, %arg7: memref<16xi32, #tpu.memory_space<vmem>>, %arg8: memref<16xi32, #tpu.memory_space<vmem>>, %arg9: memref<16xf32, #tpu.memory_space<vmem>>) attributes {dimension_semantics = [#tpu.dimension_semantics<core_parallel>, #tpu.dimension_semantics<subcore_parallel>], iteration_bounds = array<i64: 2, 16>, scalar_prefetch = 0 : i64, scratch_operands = 4 : i64, tpu.core_type = #tpu.core_type<sc_vector_subcore>, window_params = [{transform_indices = #map}, {transform_indices = #map1}, {transform_indices = #map1}, {transform_indices = #map1}]} {
    %eq3A = arith.constant 0 : i32
    %eq3A_0 = arith.cmpi eq, %arg0, %eq3A : i32
    %eq3A_1 = arith.constant 0 : i32
    %eq3A_2 = arith.cmpi eq, %arg1, %eq3A_1 : i32
    %and3A = arith.andi %eq3A_0, %eq3A_2 : i1
    %convert_element_type3A = arith.extui %and3A : i1 to i32
    %cond3A = arith.constant 0 : i32
    %cond3A_3 = arith.cmpi ne, %convert_element_type3A, %cond3A : i32
    scf.if %cond3A_3 {
      "tpu.region"() ({
        %run_scoped3A = tpu.sem_alloc : memref<!tpu.dma_semaphore, #tpu.memory_space<semaphore_mem>>
        tpu.enqueue_dma source(%arg2 : memref<8x16xf32, #tpu.memory_space<hbm>>) target(%arg6 : memref<8x16xf32, #tpu.memory_space<vmem>>) target_semaphore(%run_scoped3A : memref<!tpu.dma_semaphore, #tpu.memory_space<semaphore_mem>>)
        tpu.wait_dma2 semaphore(%run_scoped3A : memref<!tpu.dma_semaphore, #tpu.memory_space<semaphore_mem>>) src(%arg2 : memref<8x16xf32, #tpu.memory_space<hbm>>) dst(%arg6 : memref<8x16xf32, #tpu.memory_space<vmem>>)
        tpu.yield
      }) : () -> ()
      %iota3A = tpu.iota {dimensions = array<i32: 0>} : vector<16xi32>
      %get3A = arith.constant 0 : i32
      %get3A_4 = arith.index_cast %get3A : i32 to index
      %get3A_5 = arith.constant 0 : index
      %get3A_6 = tpu.vector_load %arg6[%get3A_4, %get3A_5] {strides = array<i32>} : memref<8x16xf32, #tpu.memory_space<vmem>>, vector<1x16xf32>,
      %get3A_7 = vector.shape_cast %get3A_6 : vector<1x16xf32> to vector<16xf32>
      %broadcast_in_dim3A = arith.constant 0 : i32
      %broadcast_in_dim3A_8 = vector.broadcast %broadcast_in_dim3A : i32 to vector<16xi32>
      %get3A_9 = arith.constant 1 : i32
      %get3A_10 = arith.index_cast %get3A_9 : i32 to index
      %get3A_11 = arith.constant 0 : index
      %get3A_12 = tpu.vector_load %arg6[%get3A_10, %get3A_11] {strides = array<i32>} : memref<8x16xf32, #tpu.memory_space<vmem>>, vector<1x16xf32>,
      %get3A_13 = vector.shape_cast %get3A_12 : vector<1x16xf32> to vector<16xf32>
      %gt3A = arith.cmpf ogt, %get3A_13, %get3A_7 : vector<16xf32>
      %select_n3A = arith.select %gt3A, %get3A_13, %get3A_7 : vector<16xi1>, vector<16xf32>
      %jit3A = arith.constant 1 : i32
      %broadcast_in_dim3A_14 = vector.broadcast %jit3A : i32 to vector<16xi32>
      %select_n3A_15 = arith.select %gt3A, %broadcast_in_dim3A_14, %broadcast_in_dim3A_8 : vector<16xi1>, vector<16xi32>
      %get3A_16 = arith.constant 2 : i32
      %get3A_17 = arith.index_cast %get3A_16 : i32 to index
      %get3A_18 = arith.constant 0 : index
      %get3A_19 = tpu.vector_load %arg6[%get3A_17, %get3A_18] {strides = array<i32>} : memref<8x16xf32, #tpu.memory_space<vmem>>, vector<1x16xf32>,
      %get3A_20 = vector.shape_cast %get3A_19 : vector<1x16xf32> to vector<16xf32>
      %gt3A_21 = arith.cmpf ogt, %get3A_20, %select_n3A : vector<16xf32>
      %select_n3A_22 = arith.select %gt3A_21, %get3A_20, %select_n3A : vector<16xi1>, vector<16xf32>
      %jit3A_23 = arith.constant 2 : i32
      %broadcast_in_dim3A_24 = vector.broadcast %jit3A_23 : i32 to vector<16xi32>
      %select_n3A_25 = arith.select %gt3A_21, %broadcast_in_dim3A_24, %select_n3A_15 : vector<16xi1>, vector<16xi32>
      %get3A_26 = arith.constant 3 : i32
      %get3A_27 = arith.index_cast %get3A_26 : i32 to index
      %get3A_28 = arith.constant 0 : index
      %get3A_29 = tpu.vector_load %arg6[%get3A_27, %get3A_28] {strides = array<i32>} : memref<8x16xf32, #tpu.memory_space<vmem>>, vector<1x16xf32>,
      %get3A_30 = vector.shape_cast %get3A_29 : vector<1x16xf32> to vector<16xf32>
      %gt3A_31 = arith.cmpf ogt, %get3A_30, %select_n3A_22 : vector<16xf32>
      %select_n3A_32 = arith.select %gt3A_31, %get3A_30, %select_n3A_22 : vector<16xi1>, vector<16xf32>
      %jit3A_33 = arith.constant 3 : i32
      %broadcast_in_dim3A_34 = vector.broadcast %jit3A_33 : i32 to vector<16xi32>
      %select_n3A_35 = arith.select %gt3A_31, %broadcast_in_dim3A_34, %select_n3A_25 : vector<16xi1>, vector<16xi32>
      %get3A_36 = arith.constant 4 : i32
      %get3A_37 = arith.index_cast %get3A_36 : i32 to index
      %get3A_38 = arith.constant 0 : index
      %get3A_39 = tpu.vector_load %arg6[%get3A_37, %get3A_38] {strides = array<i32>} : memref<8x16xf32, #tpu.memory_space<vmem>>, vector<1x16xf32>,
      %get3A_40 = vector.shape_cast %get3A_39 : vector<1x16xf32> to vector<16xf32>
      %gt3A_41 = arith.cmpf ogt, %get3A_40, %select_n3A_32 : vector<16xf32>
      %select_n3A_42 = arith.select %gt3A_41, %get3A_40, %select_n3A_32 : vector<16xi1>, vector<16xf32>
      %jit3A_43 = arith.constant 4 : i32
      %broadcast_in_dim3A_44 = vector.broadcast %jit3A_43 : i32 to vector<16xi32>
      %select_n3A_45 = arith.select %gt3A_41, %broadcast_in_dim3A_44, %select_n3A_35 : vector<16xi1>, vector<16xi32>
      %get3A_46 = arith.constant 5 : i32
      %get3A_47 = arith.index_cast %get3A_46 : i32 to index
      %get3A_48 = arith.constant 0 : index
      %get3A_49 = tpu.vector_load %arg6[%get3A_47, %get3A_48] {strides = array<i32>} : memref<8x16xf32, #tpu.memory_space<vmem>>, vector<1x16xf32>,
      %get3A_50 = vector.shape_cast %get3A_49 : vector<1x16xf32> to vector<16xf32>
      %gt3A_51 = arith.cmpf ogt, %get3A_50, %select_n3A_42 : vector<16xf32>
      %select_n3A_52 = arith.select %gt3A_51, %get3A_50, %select_n3A_42 : vector<16xi1>, vector<16xf32>
      %jit3A_53 = arith.constant 5 : i32
      %broadcast_in_dim3A_54 = vector.broadcast %jit3A_53 : i32 to vector<16xi32>
      %select_n3A_55 = arith.select %gt3A_51, %broadcast_in_dim3A_54, %select_n3A_45 : vector<16xi1>, vector<16xi32>
      %get3A_56 = arith.constant 6 : i32
      %get3A_57 = arith.index_cast %get3A_56 : i32 to index
      %get3A_58 = arith.constant 0 : index
      %get3A_59 = tpu.vector_load %arg6[%get3A_57, %get3A_58] {strides = array<i32>} : memref<8x16xf32, #tpu.memory_space<vmem>>, vector<1x16xf32>,
      %get3A_60 = vector.shape_cast %get3A_59 : vector<1x16xf32> to vector<16xf32>
      %gt3A_61 = arith.cmpf ogt, %get3A_60, %select_n3A_52 : vector<16xf32>
      %select_n3A_62 = arith.select %gt3A_61, %get3A_60, %select_n3A_52 : vector<16xi1>, vector<16xf32>
      %jit3A_63 = arith.constant 6 : i32
      %broadcast_in_dim3A_64 = vector.broadcast %jit3A_63 : i32 to vector<16xi32>
      %select_n3A_65 = arith.select %gt3A_61, %broadcast_in_dim3A_64, %select_n3A_55 : vector<16xi1>, vector<16xi32>
      %get3A_66 = arith.constant 7 : i32
      %get3A_67 = arith.index_cast %get3A_66 : i32 to index
      %get3A_68 = arith.constant 0 : index
      %get3A_69 = tpu.vector_load %arg6[%get3A_67, %get3A_68] {strides = array<i32>} : memref<8x16xf32, #tpu.memory_space<vmem>>, vector<1x16xf32>,
      %get3A_70 = vector.shape_cast %get3A_69 : vector<1x16xf32> to vector<16xf32>
      %gt3A_71 = arith.cmpf ogt, %get3A_70, %select_n3A_62 : vector<16xf32>
      %select_n3A_72 = arith.select %gt3A_71, %get3A_70, %select_n3A_62 : vector<16xi1>, vector<16xf32>
      %jit3A_73 = arith.constant 7 : i32
      %broadcast_in_dim3A_74 = vector.broadcast %jit3A_73 : i32 to vector<16xi32>
      %select_n3A_75 = arith.select %gt3A_71, %broadcast_in_dim3A_74, %select_n3A_65 : vector<16xi1>, vector<16xi32>
      %broadcast_in_dim3A_76 = arith.constant 0.000000e+00 : f32
      %broadcast_in_dim3A_77 = vector.broadcast %broadcast_in_dim3A_76 : f32 to vector<16xf32>
      %broadcast_in_dim3A_78 = arith.constant 0 : i32
      %broadcast_in_dim3A_79 = vector.broadcast %broadcast_in_dim3A_78 : i32 to vector<16xi32>
      %broadcast_in_dim3A_80 = arith.constant 0 : i32
      %broadcast_in_dim3A_81 = vector.broadcast %broadcast_in_dim3A_80 : i32 to vector<16xi32>
      %broadcast_in_dim3A_82 = vector.shape_cast %broadcast_in_dim3A_81 : vector<16xi32> to vector<16x1xi32>
      %gather3A = vector.shape_cast %broadcast_in_dim3A_82 : vector<16x1xi32> to vector<16xi32>
      %gather3A_83 = tpu.dynamic_gather %select_n3A_75[%gather3A] in [0] : vector<16xi32>, vector<16xi32> -> vector<16xi32>
      %eq3A_84 = arith.cmpi eq, %iota3A, %gather3A_83 : vector<16xi32>
      %jit3A_85 = arith.constant 1.000000e+00 : f32
      %jit3A_86 = arith.constant 0.000000e+00 : f32
      %broadcast_in_dim3A_87 = vector.broadcast %jit3A_85 : f32 to vector<16xf32>
      %broadcast_in_dim3A_88 = vector.broadcast %jit3A_86 : f32 to vector<16xf32>
      %select_n3A_89 = arith.select %eq3A_84, %broadcast_in_dim3A_87, %broadcast_in_dim3A_88 : vector<16xi1>, vector<16xf32>
      %add3A = arith.addf %broadcast_in_dim3A_77, %select_n3A_89 : vector<16xf32>
      %lt3A = arith.cmpi slt, %gather3A_83, %select_n3A_75 : vector<16xi32>
      %eq3A_90 = arith.cmpi eq, %gather3A_83, %select_n3A_75 : vector<16xi32>
      %gt3A_91 = arith.constant 0 : i32
      %gt3A_92 = vector.broadcast %gt3A_91 : i32 to vector<16xi32>
      %gt3A_93 = arith.cmpi sgt, %iota3A, %gt3A_92 : vector<16xi32>
      %and3A_94 = arith.andi %eq3A_90, %gt3A_93 : vector<16xi1>
      %or3A = arith.ori %lt3A, %and3A_94 : vector<16xi1>
      %jit3A_95 = arith.constant 1 : i32
      %jit3A_96 = arith.constant 0 : i32
      %broadcast_in_dim3A_97 = vector.broadcast %jit3A_95 : i32 to vector<16xi32>
      %broadcast_in_dim3A_98 = vector.broadcast %jit3A_96 : i32 to vector<16xi32>
      %select_n3A_99 = arith.select %or3A, %broadcast_in_dim3A_97, %broadcast_in_dim3A_98 : vector<16xi1>, vector<16xi32>
      %add3A_100 = arith.addi %broadcast_in_dim3A_79, %select_n3A_99 : vector<16xi32>
      %broadcast_in_dim3A_101 = arith.constant 1 : i32
      %broadcast_in_dim3A_102 = vector.broadcast %broadcast_in_dim3A_101 : i32 to vector<16xi32>
      %broadcast_in_dim3A_103 = vector.shape_cast %broadcast_in_dim3A_102 : vector<16xi32> to vector<16x1xi32>
      %gather3A_104 = vector.shape_cast %broadcast_in_dim3A_103 : vector<16x1xi32> to vector<16xi32>
      %gather3A_105 = tpu.dynamic_gather %select_n3A_75[%gather3A_104] in [0] : vector<16xi32>, vector<16xi32> -> vector<16xi32>
      %eq3A_106 = arith.cmpi eq, %iota3A, %gather3A_105 : vector<16xi32>
      %jit3A_107 = arith.constant 1.000000e+00 : f32
      %jit3A_108 = arith.constant 0.000000e+00 : f32
      %broadcast_in_dim3A_109 = vector.broadcast %jit3A_107 : f32 to vector<16xf32>
      %broadcast_in_dim3A_110 = vector.broadcast %jit3A_108 : f32 to vector<16xf32>
      %select_n3A_111 = arith.select %eq3A_106, %broadcast_in_dim3A_109, %broadcast_in_dim3A_110 : vector<16xi1>, vector<16xf32>
      %add3A_112 = arith.addf %add3A, %select_n3A_111 : vector<16xf32>
      %lt3A_113 = arith.cmpi slt, %gather3A_105, %select_n3A_75 : vector<16xi32>
      %eq3A_114 = arith.cmpi eq, %gather3A_105, %select_n3A_75 : vector<16xi32>
      %gt3A_115 = arith.constant 1 : i32
      %gt3A_116 = vector.broadcast %gt3A_115 : i32 to vector<16xi32>
      %gt3A_117 = arith.cmpi sgt, %iota3A, %gt3A_116 : vector<16xi32>
      %and3A_118 = arith.andi %eq3A_114, %gt3A_117 : vector<16xi1>
      %or3A_119 = arith.ori %lt3A_113, %and3A_118 : vector<16xi1>
      %jit3A_120 = arith.constant 1 : i32
      %jit3A_121 = arith.constant 0 : i32
      %broadcast_in_dim3A_122 = vector.broadcast %jit3A_120 : i32 to vector<16xi32>
      %broadcast_in_dim3A_123 = vector.broadcast %jit3A_121 : i32 to vector<16xi32>
      %select_n3A_124 = arith.select %or3A_119, %broadcast_in_dim3A_122, %broadcast_in_dim3A_123 : vector<16xi1>, vector<16xi32>
      %add3A_125 = arith.addi %add3A_100, %select_n3A_124 : vector<16xi32>
      %broadcast_in_dim3A_126 = arith.constant 2 : i32
      %broadcast_in_dim3A_127 = vector.broadcast %broadcast_in_dim3A_126 : i32 to vector<16xi32>
      %broadcast_in_dim3A_128 = vector.shape_cast %broadcast_in_dim3A_127 : vector<16xi32> to vector<16x1xi32>
      %gather3A_129 = vector.shape_cast %broadcast_in_dim3A_128 : vector<16x1xi32> to vector<16xi32>
      %gather3A_130 = tpu.dynamic_gather %select_n3A_75[%gather3A_129] in [0] : vector<16xi32>, vector<16xi32> -> vector<16xi32>
      %eq3A_131 = arith.cmpi eq, %iota3A, %gather3A_130 : vector<16xi32>
      %jit3A_132 = arith.constant 1.000000e+00 : f32
      %jit3A_133 = arith.constant 0.000000e+00 : f32
      %broadcast_in_dim3A_134 = vector.broadcast %jit3A_132 : f32 to vector<16xf32>
      %broadcast_in_dim3A_135 = vector.broadcast %jit3A_133 : f32 to vector<16xf32>
      %select_n3A_136 = arith.select %eq3A_131, %broadcast_in_dim3A_134, %broadcast_in_dim3A_135 : vector<16xi1>, vector<16xf32>
      %add3A_137 = arith.addf %add3A_112, %select_n3A_136 : vector<16xf32>
      %lt3A_138 = arith.cmpi slt, %gather3A_130, %select_n3A_75 : vector<16xi32>
      %eq3A_139 = arith.cmpi eq, %gather3A_130, %select_n3A_75 : vector<16xi32>
      %gt3A_140 = arith.constant 2 : i32
      %gt3A_141 = vector.broadcast %gt3A_140 : i32 to vector<16xi32>
      %gt3A_142 = arith.cmpi sgt, %iota3A, %gt3A_141 : vector<16xi32>
      %and3A_143 = arith.andi %eq3A_139, %gt3A_142 : vector<16xi1>
      %or3A_144 = arith.ori %lt3A_138, %and3A_143 : vector<16xi1>
      %jit3A_145 = arith.constant 1 : i32
      %jit3A_146 = arith.constant 0 : i32
      %broadcast_in_dim3A_147 = vector.broadcast %jit3A_145 : i32 to vector<16xi32>
      %broadcast_in_dim3A_148 = vector.broadcast %jit3A_146 : i32 to vector<16xi32>
      %select_n3A_149 = arith.select %or3A_144, %broadcast_in_dim3A_147, %broadcast_in_dim3A_148 : vector<16xi1>, vector<16xi32>
      %add3A_150 = arith.addi %add3A_125, %select_n3A_149 : vector<16xi32>
      %broadcast_in_dim3A_151 = arith.constant 3 : i32
      %broadcast_in_dim3A_152 = vector.broadcast %broadcast_in_dim3A_151 : i32 to vector<16xi32>
      %broadcast_in_dim3A_153 = vector.shape_cast %broadcast_in_dim3A_152 : vector<16xi32> to vector<16x1xi32>
      %gather3A_154 = vector.shape_cast %broadcast_in_dim3A_153 : vector<16x1xi32> to vector<16xi32>
      %gather3A_155 = tpu.dynamic_gather %select_n3A_75[%gather3A_154] in [0] : vector<16xi32>, vector<16xi32> -> vector<16xi32>
      %eq3A_156 = arith.cmpi eq, %iota3A, %gather3A_155 : vector<16xi32>
      %jit3A_157 = arith.constant 1.000000e+00 : f32
      %jit3A_158 = arith.constant 0.000000e+00 : f32
      %broadcast_in_dim3A_159 = vector.broadcast %jit3A_157 : f32 to vector<16xf32>
      %broadcast_in_dim3A_160 = vector.broadcast %jit3A_158 : f32 to vector<16xf32>
      %select_n3A_161 = arith.select %eq3A_156, %broadcast_in_dim3A_159, %broadcast_in_dim3A_160 : vector<16xi1>, vector<16xf32>
      %add3A_162 = arith.addf %add3A_137, %select_n3A_161 : vector<16xf32>
      %lt3A_163 = arith.cmpi slt, %gather3A_155, %select_n3A_75 : vector<16xi32>
      %eq3A_164 = arith.cmpi eq, %gather3A_155, %select_n3A_75 : vector<16xi32>
      %gt3A_165 = arith.constant 3 : i32
      %gt3A_166 = vector.broadcast %gt3A_165 : i32 to vector<16xi32>
      %gt3A_167 = arith.cmpi sgt, %iota3A, %gt3A_166 : vector<16xi32>
      %and3A_168 = arith.andi %eq3A_164, %gt3A_167 : vector<16xi1>
      %or3A_169 = arith.ori %lt3A_163, %and3A_168 : vector<16xi1>
      %jit3A_170 = arith.constant 1 : i32
      %jit3A_171 = arith.constant 0 : i32
      %broadcast_in_dim3A_172 = vector.broadcast %jit3A_170 : i32 to vector<16xi32>
      %broadcast_in_dim3A_173 = vector.broadcast %jit3A_171 : i32 to vector<16xi32>
      %select_n3A_174 = arith.select %or3A_169, %broadcast_in_dim3A_172, %broadcast_in_dim3A_173 : vector<16xi1>, vector<16xi32>
      %add3A_175 = arith.addi %add3A_150, %select_n3A_174 : vector<16xi32>
      %broadcast_in_dim3A_176 = arith.constant 4 : i32
      %broadcast_in_dim3A_177 = vector.broadcast %broadcast_in_dim3A_176 : i32 to vector<16xi32>
      %broadcast_in_dim3A_178 = vector.shape_cast %broadcast_in_dim3A_177 : vector<16xi32> to vector<16x1xi32>
      %gather3A_179 = vector.shape_cast %broadcast_in_dim3A_178 : vector<16x1xi32> to vector<16xi32>
      %gather3A_180 = tpu.dynamic_gather %select_n3A_75[%gather3A_179] in [0] : vector<16xi32>, vector<16xi32> -> vector<16xi32>
      %eq3A_181 = arith.cmpi eq, %iota3A, %gather3A_180 : vector<16xi32>
      %jit3A_182 = arith.constant 1.000000e+00 : f32
      %jit3A_183 = arith.constant 0.000000e+00 : f32
      %broadcast_in_dim3A_184 = vector.broadcast %jit3A_182 : f32 to vector<16xf32>
      %broadcast_in_dim3A_185 = vector.broadcast %jit3A_183 : f32 to vector<16xf32>
      %select_n3A_186 = arith.select %eq3A_181, %broadcast_in_dim3A_184, %broadcast_in_dim3A_185 : vector<16xi1>, vector<16xf32>
      %add3A_187 = arith.addf %add3A_162, %select_n3A_186 : vector<16xf32>
      %lt3A_188 = arith.cmpi slt, %gather3A_180, %select_n3A_75 : vector<16xi32>
      %eq3A_189 = arith.cmpi eq, %gather3A_180, %select_n3A_75 : vector<16xi32>
      %gt3A_190 = arith.constant 4 : i32
      %gt3A_191 = vector.broadcast %gt3A_190 : i32 to vector<16xi32>
      %gt3A_192 = arith.cmpi sgt, %iota3A, %gt3A_191 : vector<16xi32>
      %and3A_193 = arith.andi %eq3A_189, %gt3A_192 : vector<16xi1>
      %or3A_194 = arith.ori %lt3A_188, %and3A_193 : vector<16xi1>
      %jit3A_195 = arith.constant 1 : i32
      %jit3A_196 = arith.constant 0 : i32
      %broadcast_in_dim3A_197 = vector.broadcast %jit3A_195 : i32 to vector<16xi32>
      %broadcast_in_dim3A_198 = vector.broadcast %jit3A_196 : i32 to vector<16xi32>
      %select_n3A_199 = arith.select %or3A_194, %broadcast_in_dim3A_197, %broadcast_in_dim3A_198 : vector<16xi1>, vector<16xi32>
      %add3A_200 = arith.addi %add3A_175, %select_n3A_199 : vector<16xi32>
      %broadcast_in_dim3A_201 = arith.constant 5 : i32
      %broadcast_in_dim3A_202 = vector.broadcast %broadcast_in_dim3A_201 : i32 to vector<16xi32>
      %broadcast_in_dim3A_203 = vector.shape_cast %broadcast_in_dim3A_202 : vector<16xi32> to vector<16x1xi32>
      %gather3A_204 = vector.shape_cast %broadcast_in_dim3A_203 : vector<16x1xi32> to vector<16xi32>
      %gather3A_205 = tpu.dynamic_gather %select_n3A_75[%gather3A_204] in [0] : vector<16xi32>, vector<16xi32> -> vector<16xi32>
      %eq3A_206 = arith.cmpi eq, %iota3A, %gather3A_205 : vector<16xi32>
      %jit3A_207 = arith.constant 1.000000e+00 : f32
      %jit3A_208 = arith.constant 0.000000e+00 : f32
      %broadcast_in_dim3A_209 = vector.broadcast %jit3A_207 : f32 to vector<16xf32>
      %broadcast_in_dim3A_210 = vector.broadcast %jit3A_208 : f32 to vector<16xf32>
      %select_n3A_211 = arith.select %eq3A_206, %broadcast_in_dim3A_209, %broadcast_in_dim3A_210 : vector<16xi1>, vector<16xf32>
      %add3A_212 = arith.addf %add3A_187, %select_n3A_211 : vector<16xf32>
      %lt3A_213 = arith.cmpi slt, %gather3A_205, %select_n3A_75 : vector<16xi32>
      %eq3A_214 = arith.cmpi eq, %gather3A_205, %select_n3A_75 : vector<16xi32>
      %gt3A_215 = arith.constant 5 : i32
      %gt3A_216 = vector.broadcast %gt3A_215 : i32 to vector<16xi32>
      %gt3A_217 = arith.cmpi sgt, %iota3A, %gt3A_216 : vector<16xi32>
      %and3A_218 = arith.andi %eq3A_214, %gt3A_217 : vector<16xi1>
      %or3A_219 = arith.ori %lt3A_213, %and3A_218 : vector<16xi1>
      %jit3A_220 = arith.constant 1 : i32
      %jit3A_221 = arith.constant 0 : i32
      %broadcast_in_dim3A_222 = vector.broadcast %jit3A_220 : i32 to vector<16xi32>
      %broadcast_in_dim3A_223 = vector.broadcast %jit3A_221 : i32 to vector<16xi32>
      %select_n3A_224 = arith.select %or3A_219, %broadcast_in_dim3A_222, %broadcast_in_dim3A_223 : vector<16xi1>, vector<16xi32>
      %add3A_225 = arith.addi %add3A_200, %select_n3A_224 : vector<16xi32>
      %broadcast_in_dim3A_226 = arith.constant 6 : i32
      %broadcast_in_dim3A_227 = vector.broadcast %broadcast_in_dim3A_226 : i32 to vector<16xi32>
      %broadcast_in_dim3A_228 = vector.shape_cast %broadcast_in_dim3A_227 : vector<16xi32> to vector<16x1xi32>
      %gather3A_229 = vector.shape_cast %broadcast_in_dim3A_228 : vector<16x1xi32> to vector<16xi32>
      %gather3A_230 = tpu.dynamic_gather %select_n3A_75[%gather3A_229] in [0] : vector<16xi32>, vector<16xi32> -> vector<16xi32>
      %eq3A_231 = arith.cmpi eq, %iota3A, %gather3A_230 : vector<16xi32>
      %jit3A_232 = arith.constant 1.000000e+00 : f32
      %jit3A_233 = arith.constant 0.000000e+00 : f32
      %broadcast_in_dim3A_234 = vector.broadcast %jit3A_232 : f32 to vector<16xf32>
      %broadcast_in_dim3A_235 = vector.broadcast %jit3A_233 : f32 to vector<16xf32>
      %select_n3A_236 = arith.select %eq3A_231, %broadcast_in_dim3A_234, %broadcast_in_dim3A_235 : vector<16xi1>, vector<16xf32>
      %add3A_237 = arith.addf %add3A_212, %select_n3A_236 : vector<16xf32>
      %lt3A_238 = arith.cmpi slt, %gather3A_230, %select_n3A_75 : vector<16xi32>
      %eq3A_239 = arith.cmpi eq, %gather3A_230, %select_n3A_75 : vector<16xi32>
      %gt3A_240 = arith.constant 6 : i32
      %gt3A_241 = vector.broadcast %gt3A_240 : i32 to vector<16xi32>
      %gt3A_242 = arith.cmpi sgt, %iota3A, %gt3A_241 : vector<16xi32>
      %and3A_243 = arith.andi %eq3A_239, %gt3A_242 : vector<16xi1>
      %or3A_244 = arith.ori %lt3A_238, %and3A_243 : vector<16xi1>
      %jit3A_245 = arith.constant 1 : i32
      %jit3A_246 = arith.constant 0 : i32
      %broadcast_in_dim3A_247 = vector.broadcast %jit3A_245 : i32 to vector<16xi32>
      %broadcast_in_dim3A_248 = vector.broadcast %jit3A_246 : i32 to vector<16xi32>
      %select_n3A_249 = arith.select %or3A_244, %broadcast_in_dim3A_247, %broadcast_in_dim3A_248 : vector<16xi1>, vector<16xi32>
      %add3A_250 = arith.addi %add3A_225, %select_n3A_249 : vector<16xi32>
      %broadcast_in_dim3A_251 = arith.constant 7 : i32
      %broadcast_in_dim3A_252 = vector.broadcast %broadcast_in_dim3A_251 : i32 to vector<16xi32>
      %broadcast_in_dim3A_253 = vector.shape_cast %broadcast_in_dim3A_252 : vector<16xi32> to vector<16x1xi32>
      %gather3A_254 = vector.shape_cast %broadcast_in_dim3A_253 : vector<16x1xi32> to vector<16xi32>
      %gather3A_255 = tpu.dynamic_gather %select_n3A_75[%gather3A_254] in [0] : vector<16xi32>, vector<16xi32> -> vector<16xi32>
      %eq3A_256 = arith.cmpi eq, %iota3A, %gather3A_255 : vector<16xi32>
      %jit3A_257 = arith.constant 1.000000e+00 : f32
      %jit3A_258 = arith.constant 0.000000e+00 : f32
      %broadcast_in_dim3A_259 = vector.broadcast %jit3A_257 : f32 to vector<16xf32>
      %broadcast_in_dim3A_260 = vector.broadcast %jit3A_258 : f32 to vector<16xf32>
      %select_n3A_261 = arith.select %eq3A_256, %broadcast_in_dim3A_259, %broadcast_in_dim3A_260 : vector<16xi1>, vector<16xf32>
      %add3A_262 = arith.addf %add3A_237, %select_n3A_261 : vector<16xf32>
      %lt3A_263 = arith.cmpi slt, %gather3A_255, %select_n3A_75 : vector<16xi32>
      %eq3A_264 = arith.cmpi eq, %gather3A_255, %select_n3A_75 : vector<16xi32>
      %gt3A_265 = arith.constant 7 : i32
      %gt3A_266 = vector.broadcast %gt3A_265 : i32 to vector<16xi32>
      %gt3A_267 = arith.cmpi sgt, %iota3A, %gt3A_266 : vector<16xi32>
      %and3A_268 = arith.andi %eq3A_264, %gt3A_267 : vector<16xi1>
      %or3A_269 = arith.ori %lt3A_263, %and3A_268 : vector<16xi1>
      %jit3A_270 = arith.constant 1 : i32
      %jit3A_271 = arith.constant 0 : i32
      %broadcast_in_dim3A_272 = vector.broadcast %jit3A_270 : i32 to vector<16xi32>
      %broadcast_in_dim3A_273 = vector.broadcast %jit3A_271 : i32 to vector<16xi32>
      %select_n3A_274 = arith.select %or3A_269, %broadcast_in_dim3A_272, %broadcast_in_dim3A_273 : vector<16xi1>, vector<16xi32>
      %add3A_275 = arith.addi %add3A_250, %select_n3A_274 : vector<16xi32>
      %broadcast_in_dim3A_276 = arith.constant 8 : i32
      %broadcast_in_dim3A_277 = vector.broadcast %broadcast_in_dim3A_276 : i32 to vector<16xi32>
      %broadcast_in_dim3A_278 = vector.shape_cast %broadcast_in_dim3A_277 : vector<16xi32> to vector<16x1xi32>
      %gather3A_279 = vector.shape_cast %broadcast_in_dim3A_278 : vector<16x1xi32> to vector<16xi32>
      %gather3A_280 = tpu.dynamic_gather %select_n3A_75[%gather3A_279] in [0] : vector<16xi32>, vector<16xi32> -> vector<16xi32>
      %eq3A_281 = arith.cmpi eq, %iota3A, %gather3A_280 : vector<16xi32>
      %jit3A_282 = arith.constant 1.000000e+00 : f32
      %jit3A_283 = arith.constant 0.000000e+00 : f32
      %broadcast_in_dim3A_284 = vector.broadcast %jit3A_282 : f32 to vector<16xf32>
      %broadcast_in_dim3A_285 = vector.broadcast %jit3A_283 : f32 to vector<16xf32>
      %select_n3A_286 = arith.select %eq3A_281, %broadcast_in_dim3A_284, %broadcast_in_dim3A_285 : vector<16xi1>, vector<16xf32>
      %add3A_287 = arith.addf %add3A_262, %select_n3A_286 : vector<16xf32>
      %lt3A_288 = arith.cmpi slt, %gather3A_280, %select_n3A_75 : vector<16xi32>
      %eq3A_289 = arith.cmpi eq, %gather3A_280, %select_n3A_75 : vector<16xi32>
      %gt3A_290 = arith.constant 8 : i32
      %gt3A_291 = vector.broadcast %gt3A_290 : i32 to vector<16xi32>
      %gt3A_292 = arith.cmpi sgt, %iota3A, %gt3A_291 : vector<16xi32>
      %and3A_293 = arith.andi %eq3A_289, %gt3A_292 : vector<16xi1>
      %or3A_294 = arith.ori %lt3A_288, %and3A_293 : vector<16xi1>
      %jit3A_295 = arith.constant 1 : i32
      %jit3A_296 = arith.constant 0 : i32
      %broadcast_in_dim3A_297 = vector.broadcast %jit3A_295 : i32 to vector<16xi32>
      %broadcast_in_dim3A_298 = vector.broadcast %jit3A_296 : i32 to vector<16xi32>
      %select_n3A_299 = arith.select %or3A_294, %broadcast_in_dim3A_297, %broadcast_in_dim3A_298 : vector<16xi1>, vector<16xi32>
      %add3A_300 = arith.addi %add3A_275, %select_n3A_299 : vector<16xi32>
      %broadcast_in_dim3A_301 = arith.constant 9 : i32
      %broadcast_in_dim3A_302 = vector.broadcast %broadcast_in_dim3A_301 : i32 to vector<16xi32>
      %broadcast_in_dim3A_303 = vector.shape_cast %broadcast_in_dim3A_302 : vector<16xi32> to vector<16x1xi32>
      %gather3A_304 = vector.shape_cast %broadcast_in_dim3A_303 : vector<16x1xi32> to vector<16xi32>
      %gather3A_305 = tpu.dynamic_gather %select_n3A_75[%gather3A_304] in [0] : vector<16xi32>, vector<16xi32> -> vector<16xi32>
      %eq3A_306 = arith.cmpi eq, %iota3A, %gather3A_305 : vector<16xi32>
      %jit3A_307 = arith.constant 1.000000e+00 : f32
      %jit3A_308 = arith.constant 0.000000e+00 : f32
      %broadcast_in_dim3A_309 = vector.broadcast %jit3A_307 : f32 to vector<16xf32>
      %broadcast_in_dim3A_310 = vector.broadcast %jit3A_308 : f32 to vector<16xf32>
      %select_n3A_311 = arith.select %eq3A_306, %broadcast_in_dim3A_309, %broadcast_in_dim3A_310 : vector<16xi1>, vector<16xf32>
      %add3A_312 = arith.addf %add3A_287, %select_n3A_311 : vector<16xf32>
      %lt3A_313 = arith.cmpi slt, %gather3A_305, %select_n3A_75 : vector<16xi32>
      %eq3A_314 = arith.cmpi eq, %gather3A_305, %select_n3A_75 : vector<16xi32>
      %gt3A_315 = arith.constant 9 : i32
      %gt3A_316 = vector.broadcast %gt3A_315 : i32 to vector<16xi32>
      %gt3A_317 = arith.cmpi sgt, %iota3A, %gt3A_316 : vector<16xi32>
      %and3A_318 = arith.andi %eq3A_314, %gt3A_317 : vector<16xi1>
      %or3A_319 = arith.ori %lt3A_313, %and3A_318 : vector<16xi1>
      %jit3A_320 = arith.constant 1 : i32
      %jit3A_321 = arith.constant 0 : i32
      %broadcast_in_dim3A_322 = vector.broadcast %jit3A_320 : i32 to vector<16xi32>
      %broadcast_in_dim3A_323 = vector.broadcast %jit3A_321 : i32 to vector<16xi32>
      %select_n3A_324 = arith.select %or3A_319, %broadcast_in_dim3A_322, %broadcast_in_dim3A_323 : vector<16xi1>, vector<16xi32>
      %add3A_325 = arith.addi %add3A_300, %select_n3A_324 : vector<16xi32>
      %broadcast_in_dim3A_326 = arith.constant 10 : i32
      %broadcast_in_dim3A_327 = vector.broadcast %broadcast_in_dim3A_326 : i32 to vector<16xi32>
      %broadcast_in_dim3A_328 = vector.shape_cast %broadcast_in_dim3A_327 : vector<16xi32> to vector<16x1xi32>
      %gather3A_329 = vector.shape_cast %broadcast_in_dim3A_328 : vector<16x1xi32> to vector<16xi32>
      %gather3A_330 = tpu.dynamic_gather %select_n3A_75[%gather3A_329] in [0] : vector<16xi32>, vector<16xi32> -> vector<16xi32>
      %eq3A_331 = arith.cmpi eq, %iota3A, %gather3A_330 : vector<16xi32>
      %jit3A_332 = arith.constant 1.000000e+00 : f32
      %jit3A_333 = arith.constant 0.000000e+00 : f32
      %broadcast_in_dim3A_334 = vector.broadcast %jit3A_332 : f32 to vector<16xf32>
      %broadcast_in_dim3A_335 = vector.broadcast %jit3A_333 : f32 to vector<16xf32>
      %select_n3A_336 = arith.select %eq3A_331, %broadcast_in_dim3A_334, %broadcast_in_dim3A_335 : vector<16xi1>, vector<16xf32>
      %add3A_337 = arith.addf %add3A_312, %select_n3A_336 : vector<16xf32>
      %lt3A_338 = arith.cmpi slt, %gather3A_330, %select_n3A_75 : vector<16xi32>
      %eq3A_339 = arith.cmpi eq, %gather3A_330, %select_n3A_75 : vector<16xi32>
      %gt3A_340 = arith.constant 10 : i32
      %gt3A_341 = vector.broadcast %gt3A_340 : i32 to vector<16xi32>
      %gt3A_342 = arith.cmpi sgt, %iota3A, %gt3A_341 : vector<16xi32>
      %and3A_343 = arith.andi %eq3A_339, %gt3A_342 : vector<16xi1>
      %or3A_344 = arith.ori %lt3A_338, %and3A_343 : vector<16xi1>
      %jit3A_345 = arith.constant 1 : i32
      %jit3A_346 = arith.constant 0 : i32
      %broadcast_in_dim3A_347 = vector.broadcast %jit3A_345 : i32 to vector<16xi32>
      %broadcast_in_dim3A_348 = vector.broadcast %jit3A_346 : i32 to vector<16xi32>
      %select_n3A_349 = arith.select %or3A_344, %broadcast_in_dim3A_347, %broadcast_in_dim3A_348 : vector<16xi1>, vector<16xi32>
      %add3A_350 = arith.addi %add3A_325, %select_n3A_349 : vector<16xi32>
      %broadcast_in_dim3A_351 = arith.constant 11 : i32
      %broadcast_in_dim3A_352 = vector.broadcast %broadcast_in_dim3A_351 : i32 to vector<16xi32>
      %broadcast_in_dim3A_353 = vector.shape_cast %broadcast_in_dim3A_352 : vector<16xi32> to vector<16x1xi32>
      %gather3A_354 = vector.shape_cast %broadcast_in_dim3A_353 : vector<16x1xi32> to vector<16xi32>
      %gather3A_355 = tpu.dynamic_gather %select_n3A_75[%gather3A_354] in [0] : vector<16xi32>, vector<16xi32> -> vector<16xi32>
      %eq3A_356 = arith.cmpi eq, %iota3A, %gather3A_355 : vector<16xi32>
      %jit3A_357 = arith.constant 1.000000e+00 : f32
      %jit3A_358 = arith.constant 0.000000e+00 : f32
      %broadcast_in_dim3A_359 = vector.broadcast %jit3A_357 : f32 to vector<16xf32>
      %broadcast_in_dim3A_360 = vector.broadcast %jit3A_358 : f32 to vector<16xf32>
      %select_n3A_361 = arith.select %eq3A_356, %broadcast_in_dim3A_359, %broadcast_in_dim3A_360 : vector<16xi1>, vector<16xf32>
      %add3A_362 = arith.addf %add3A_337, %select_n3A_361 : vector<16xf32>
      %lt3A_363 = arith.cmpi slt, %gather3A_355, %select_n3A_75 : vector<16xi32>
      %eq3A_364 = arith.cmpi eq, %gather3A_355, %select_n3A_75 : vector<16xi32>
      %gt3A_365 = arith.constant 11 : i32
      %gt3A_366 = vector.broadcast %gt3A_365 : i32 to vector<16xi32>
      %gt3A_367 = arith.cmpi sgt, %iota3A, %gt3A_366 : vector<16xi32>
      %and3A_368 = arith.andi %eq3A_364, %gt3A_367 : vector<16xi1>
      %or3A_369 = arith.ori %lt3A_363, %and3A_368 : vector<16xi1>
      %jit3A_370 = arith.constant 1 : i32
      %jit3A_371 = arith.constant 0 : i32
      %broadcast_in_dim3A_372 = vector.broadcast %jit3A_370 : i32 to vector<16xi32>
      %broadcast_in_dim3A_373 = vector.broadcast %jit3A_371 : i32 to vector<16xi32>
      %select_n3A_374 = arith.select %or3A_369, %broadcast_in_dim3A_372, %broadcast_in_dim3A_373 : vector<16xi1>, vector<16xi32>
      %add3A_375 = arith.addi %add3A_350, %select_n3A_374 : vector<16xi32>
      %broadcast_in_dim3A_376 = arith.constant 12 : i32
      %broadcast_in_dim3A_377 = vector.broadcast %broadcast_in_dim3A_376 : i32 to vector<16xi32>
      %broadcast_in_dim3A_378 = vector.shape_cast %broadcast_in_dim3A_377 : vector<16xi32> to vector<16x1xi32>
      %gather3A_379 = vector.shape_cast %broadcast_in_dim3A_378 : vector<16x1xi32> to vector<16xi32>
      %gather3A_380 = tpu.dynamic_gather %select_n3A_75[%gather3A_379] in [0] : vector<16xi32>, vector<16xi32> -> vector<16xi32>
      %eq3A_381 = arith.cmpi eq, %iota3A, %gather3A_380 : vector<16xi32>
      %jit3A_382 = arith.constant 1.000000e+00 : f32
      %jit3A_383 = arith.constant 0.000000e+00 : f32
      %broadcast_in_dim3A_384 = vector.broadcast %jit3A_382 : f32 to vector<16xf32>
      %broadcast_in_dim3A_385 = vector.broadcast %jit3A_383 : f32 to vector<16xf32>
      %select_n3A_386 = arith.select %eq3A_381, %broadcast_in_dim3A_384, %broadcast_in_dim3A_385 : vector<16xi1>, vector<16xf32>
      %add3A_387 = arith.addf %add3A_362, %select_n3A_386 : vector<16xf32>
      %lt3A_388 = arith.cmpi slt, %gather3A_380, %select_n3A_75 : vector<16xi32>
      %eq3A_389 = arith.cmpi eq, %gather3A_380, %select_n3A_75 : vector<16xi32>
      %gt3A_390 = arith.constant 12 : i32
      %gt3A_391 = vector.broadcast %gt3A_390 : i32 to vector<16xi32>
      %gt3A_392 = arith.cmpi sgt, %iota3A, %gt3A_391 : vector<16xi32>
      %and3A_393 = arith.andi %eq3A_389, %gt3A_392 : vector<16xi1>
      %or3A_394 = arith.ori %lt3A_388, %and3A_393 : vector<16xi1>
      %jit3A_395 = arith.constant 1 : i32
      %jit3A_396 = arith.constant 0 : i32
      %broadcast_in_dim3A_397 = vector.broadcast %jit3A_395 : i32 to vector<16xi32>
      %broadcast_in_dim3A_398 = vector.broadcast %jit3A_396 : i32 to vector<16xi32>
      %select_n3A_399 = arith.select %or3A_394, %broadcast_in_dim3A_397, %broadcast_in_dim3A_398 : vector<16xi1>, vector<16xi32>
      %add3A_400 = arith.addi %add3A_375, %select_n3A_399 : vector<16xi32>
      %broadcast_in_dim3A_401 = arith.constant 13 : i32
      %broadcast_in_dim3A_402 = vector.broadcast %broadcast_in_dim3A_401 : i32 to vector<16xi32>
      %broadcast_in_dim3A_403 = vector.shape_cast %broadcast_in_dim3A_402 : vector<16xi32> to vector<16x1xi32>
      %gather3A_404 = vector.shape_cast %broadcast_in_dim3A_403 : vector<16x1xi32> to vector<16xi32>
      %gather3A_405 = tpu.dynamic_gather %select_n3A_75[%gather3A_404] in [0] : vector<16xi32>, vector<16xi32> -> vector<16xi32>
      %eq3A_406 = arith.cmpi eq, %iota3A, %gather3A_405 : vector<16xi32>
      %jit3A_407 = arith.constant 1.000000e+00 : f32
      %jit3A_408 = arith.constant 0.000000e+00 : f32
      %broadcast_in_dim3A_409 = vector.broadcast %jit3A_407 : f32 to vector<16xf32>
      %broadcast_in_dim3A_410 = vector.broadcast %jit3A_408 : f32 to vector<16xf32>
      %select_n3A_411 = arith.select %eq3A_406, %broadcast_in_dim3A_409, %broadcast_in_dim3A_410 : vector<16xi1>, vector<16xf32>
      %add3A_412 = arith.addf %add3A_387, %select_n3A_411 : vector<16xf32>
      %lt3A_413 = arith.cmpi slt, %gather3A_405, %select_n3A_75 : vector<16xi32>
      %eq3A_414 = arith.cmpi eq, %gather3A_405, %select_n3A_75 : vector<16xi32>
      %gt3A_415 = arith.constant 13 : i32
      %gt3A_416 = vector.broadcast %gt3A_415 : i32 to vector<16xi32>
      %gt3A_417 = arith.cmpi sgt, %iota3A, %gt3A_416 : vector<16xi32>
      %and3A_418 = arith.andi %eq3A_414, %gt3A_417 : vector<16xi1>
      %or3A_419 = arith.ori %lt3A_413, %and3A_418 : vector<16xi1>
      %jit3A_420 = arith.constant 1 : i32
      %jit3A_421 = arith.constant 0 : i32
      %broadcast_in_dim3A_422 = vector.broadcast %jit3A_420 : i32 to vector<16xi32>
      %broadcast_in_dim3A_423 = vector.broadcast %jit3A_421 : i32 to vector<16xi32>
      %select_n3A_424 = arith.select %or3A_419, %broadcast_in_dim3A_422, %broadcast_in_dim3A_423 : vector<16xi1>, vector<16xi32>
      %add3A_425 = arith.addi %add3A_400, %select_n3A_424 : vector<16xi32>
      %broadcast_in_dim3A_426 = arith.constant 14 : i32
      %broadcast_in_dim3A_427 = vector.broadcast %broadcast_in_dim3A_426 : i32 to vector<16xi32>
      %broadcast_in_dim3A_428 = vector.shape_cast %broadcast_in_dim3A_427 : vector<16xi32> to vector<16x1xi32>
      %gather3A_429 = vector.shape_cast %broadcast_in_dim3A_428 : vector<16x1xi32> to vector<16xi32>
      %gather3A_430 = tpu.dynamic_gather %select_n3A_75[%gather3A_429] in [0] : vector<16xi32>, vector<16xi32> -> vector<16xi32>
      %eq3A_431 = arith.cmpi eq, %iota3A, %gather3A_430 : vector<16xi32>
      %jit3A_432 = arith.constant 1.000000e+00 : f32
      %jit3A_433 = arith.constant 0.000000e+00 : f32
      %broadcast_in_dim3A_434 = vector.broadcast %jit3A_432 : f32 to vector<16xf32>
      %broadcast_in_dim3A_435 = vector.broadcast %jit3A_433 : f32 to vector<16xf32>
      %select_n3A_436 = arith.select %eq3A_431, %broadcast_in_dim3A_434, %broadcast_in_dim3A_435 : vector<16xi1>, vector<16xf32>
      %add3A_437 = arith.addf %add3A_412, %select_n3A_436 : vector<16xf32>
      %lt3A_438 = arith.cmpi slt, %gather3A_430, %select_n3A_75 : vector<16xi32>
      %eq3A_439 = arith.cmpi eq, %gather3A_430, %select_n3A_75 : vector<16xi32>
      %gt3A_440 = arith.constant 14 : i32
      %gt3A_441 = vector.broadcast %gt3A_440 : i32 to vector<16xi32>
      %gt3A_442 = arith.cmpi sgt, %iota3A, %gt3A_441 : vector<16xi32>
      %and3A_443 = arith.andi %eq3A_439, %gt3A_442 : vector<16xi1>
      %or3A_444 = arith.ori %lt3A_438, %and3A_443 : vector<16xi1>
      %jit3A_445 = arith.constant 1 : i32
      %jit3A_446 = arith.constant 0 : i32
      %broadcast_in_dim3A_447 = vector.broadcast %jit3A_445 : i32 to vector<16xi32>
      %broadcast_in_dim3A_448 = vector.broadcast %jit3A_446 : i32 to vector<16xi32>
      %select_n3A_449 = arith.select %or3A_444, %broadcast_in_dim3A_447, %broadcast_in_dim3A_448 : vector<16xi1>, vector<16xi32>
      %add3A_450 = arith.addi %add3A_425, %select_n3A_449 : vector<16xi32>
      %broadcast_in_dim3A_451 = arith.constant 15 : i32
      %broadcast_in_dim3A_452 = vector.broadcast %broadcast_in_dim3A_451 : i32 to vector<16xi32>
      %broadcast_in_dim3A_453 = vector.shape_cast %broadcast_in_dim3A_452 : vector<16xi32> to vector<16x1xi32>
      %gather3A_454 = vector.shape_cast %broadcast_in_dim3A_453 : vector<16x1xi32> to vector<16xi32>
      %gather3A_455 = tpu.dynamic_gather %select_n3A_75[%gather3A_454] in [0] : vector<16xi32>, vector<16xi32> -> vector<16xi32>
      %eq3A_456 = arith.cmpi eq, %iota3A, %gather3A_455 : vector<16xi32>
      %jit3A_457 = arith.constant 1.000000e+00 : f32
      %jit3A_458 = arith.constant 0.000000e+00 : f32
      %broadcast_in_dim3A_459 = vector.broadcast %jit3A_457 : f32 to vector<16xf32>
      %broadcast_in_dim3A_460 = vector.broadcast %jit3A_458 : f32 to vector<16xf32>
      %select_n3A_461 = arith.select %eq3A_456, %broadcast_in_dim3A_459, %broadcast_in_dim3A_460 : vector<16xi1>, vector<16xf32>
      %add3A_462 = arith.addf %add3A_437, %select_n3A_461 : vector<16xf32>
      %lt3A_463 = arith.cmpi slt, %gather3A_455, %select_n3A_75 : vector<16xi32>
      %eq3A_464 = arith.cmpi eq, %gather3A_455, %select_n3A_75 : vector<16xi32>
      %gt3A_465 = arith.constant 15 : i32
      %gt3A_466 = vector.broadcast %gt3A_465 : i32 to vector<16xi32>
      %gt3A_467 = arith.cmpi sgt, %iota3A, %gt3A_466 : vector<16xi32>
      %and3A_468 = arith.andi %eq3A_464, %gt3A_467 : vector<16xi1>
      %or3A_469 = arith.ori %lt3A_463, %and3A_468 : vector<16xi1>
      %jit3A_470 = arith.constant 1 : i32
      %jit3A_471 = arith.constant 0 : i32
      %broadcast_in_dim3A_472 = vector.broadcast %jit3A_470 : i32 to vector<16xi32>
      %broadcast_in_dim3A_473 = vector.broadcast %jit3A_471 : i32 to vector<16xi32>
      %select_n3A_474 = arith.select %or3A_469, %broadcast_in_dim3A_472, %broadcast_in_dim3A_473 : vector<16xi1>, vector<16xi32>
      %add3A_475 = arith.addi %add3A_450, %select_n3A_474 : vector<16xi32>
      %broadcast_in_dim3A_476 = arith.constant 0 : i32
      %broadcast_in_dim3A_477 = vector.broadcast %broadcast_in_dim3A_476 : i32 to vector<16xi32>
      %broadcast_in_dim3A_478 = arith.constant 0 : i32
      %broadcast_in_dim3A_479 = vector.broadcast %broadcast_in_dim3A_478 : i32 to vector<16xi32>
      %broadcast_in_dim3A_480 = vector.shape_cast %broadcast_in_dim3A_479 : vector<16xi32> to vector<16x1xi32>
      %gather3A_481 = vector.shape_cast %broadcast_in_dim3A_480 : vector<16x1xi32> to vector<16xi32>
      %gather3A_482 = tpu.dynamic_gather %add3A_475[%gather3A_481] in [0] : vector<16xi32>, vector<16xi32> -> vector<16xi32>
      %eq3A_483 = arith.cmpi eq, %iota3A, %gather3A_482 : vector<16xi32>
      %jit3A_484 = arith.constant 0 : i32
      %broadcast_in_dim3A_485 = vector.broadcast %jit3A_484 : i32 to vector<16xi32>
      %select_n3A_486 = arith.select %eq3A_483, %broadcast_in_dim3A_485, %broadcast_in_dim3A_477 : vector<16xi1>, vector<16xi32>
      %broadcast_in_dim3A_487 = arith.constant 1 : i32
      %broadcast_in_dim3A_488 = vector.broadcast %broadcast_in_dim3A_487 : i32 to vector<16xi32>
      %broadcast_in_dim3A_489 = vector.shape_cast %broadcast_in_dim3A_488 : vector<16xi32> to vector<16x1xi32>
      %gather3A_490 = vector.shape_cast %broadcast_in_dim3A_489 : vector<16x1xi32> to vector<16xi32>
      %gather3A_491 = tpu.dynamic_gather %add3A_475[%gather3A_490] in [0] : vector<16xi32>, vector<16xi32> -> vector<16xi32>
      %eq3A_492 = arith.cmpi eq, %iota3A, %gather3A_491 : vector<16xi32>
      %jit3A_493 = arith.constant 1 : i32
      %broadcast_in_dim3A_494 = vector.broadcast %jit3A_493 : i32 to vector<16xi32>
      %select_n3A_495 = arith.select %eq3A_492, %broadcast_in_dim3A_494, %select_n3A_486 : vector<16xi1>, vector<16xi32>
      %broadcast_in_dim3A_496 = arith.constant 2 : i32
      %broadcast_in_dim3A_497 = vector.broadcast %broadcast_in_dim3A_496 : i32 to vector<16xi32>
      %broadcast_in_dim3A_498 = vector.shape_cast %broadcast_in_dim3A_497 : vector<16xi32> to vector<16x1xi32>
      %gather3A_499 = vector.shape_cast %broadcast_in_dim3A_498 : vector<16x1xi32> to vector<16xi32>
      %gather3A_500 = tpu.dynamic_gather %add3A_475[%gather3A_499] in [0] : vector<16xi32>, vector<16xi32> -> vector<16xi32>
      %eq3A_501 = arith.cmpi eq, %iota3A, %gather3A_500 : vector<16xi32>
      %jit3A_502 = arith.constant 2 : i32
      %broadcast_in_dim3A_503 = vector.broadcast %jit3A_502 : i32 to vector<16xi32>
      %select_n3A_504 = arith.select %eq3A_501, %broadcast_in_dim3A_503, %select_n3A_495 : vector<16xi1>, vector<16xi32>
      %broadcast_in_dim3A_505 = arith.constant 3 : i32
      %broadcast_in_dim3A_506 = vector.broadcast %broadcast_in_dim3A_505 : i32 to vector<16xi32>
      %broadcast_in_dim3A_507 = vector.shape_cast %broadcast_in_dim3A_506 : vector<16xi32> to vector<16x1xi32>
      %gather3A_508 = vector.shape_cast %broadcast_in_dim3A_507 : vector<16x1xi32> to vector<16xi32>
      %gather3A_509 = tpu.dynamic_gather %add3A_475[%gather3A_508] in [0] : vector<16xi32>, vector<16xi32> -> vector<16xi32>
      %eq3A_510 = arith.cmpi eq, %iota3A, %gather3A_509 : vector<16xi32>
      %jit3A_511 = arith.constant 3 : i32
      %broadcast_in_dim3A_512 = vector.broadcast %jit3A_511 : i32 to vector<16xi32>
      %select_n3A_513 = arith.select %eq3A_510, %broadcast_in_dim3A_512, %select_n3A_504 : vector<16xi1>, vector<16xi32>
      %broadcast_in_dim3A_514 = arith.constant 4 : i32
      %broadcast_in_dim3A_515 = vector.broadcast %broadcast_in_dim3A_514 : i32 to vector<16xi32>
      %broadcast_in_dim3A_516 = vector.shape_cast %broadcast_in_dim3A_515 : vector<16xi32> to vector<16x1xi32>
      %gather3A_517 = vector.shape_cast %broadcast_in_dim3A_516 : vector<16x1xi32> to vector<16xi32>
      %gather3A_518 = tpu.dynamic_gather %add3A_475[%gather3A_517] in [0] : vector<16xi32>, vector<16xi32> -> vector<16xi32>
      %eq3A_519 = arith.cmpi eq, %iota3A, %gather3A_518 : vector<16xi32>
      %jit3A_520 = arith.constant 4 : i32
      %broadcast_in_dim3A_521 = vector.broadcast %jit3A_520 : i32 to vector<16xi32>
      %select_n3A_522 = arith.select %eq3A_519, %broadcast_in_dim3A_521, %select_n3A_513 : vector<16xi1>, vector<16xi32>
      %broadcast_in_dim3A_523 = arith.constant 5 : i32
      %broadcast_in_dim3A_524 = vector.broadcast %broadcast_in_dim3A_523 : i32 to vector<16xi32>
      %broadcast_in_dim3A_525 = vector.shape_cast %broadcast_in_dim3A_524 : vector<16xi32> to vector<16x1xi32>
      %gather3A_526 = vector.shape_cast %broadcast_in_dim3A_525 : vector<16x1xi32> to vector<16xi32>
      %gather3A_527 = tpu.dynamic_gather %add3A_475[%gather3A_526] in [0] : vector<16xi32>, vector<16xi32> -> vector<16xi32>
      %eq3A_528 = arith.cmpi eq, %iota3A, %gather3A_527 : vector<16xi32>
      %jit3A_529 = arith.constant 5 : i32
      %broadcast_in_dim3A_530 = vector.broadcast %jit3A_529 : i32 to vector<16xi32>
      %select_n3A_531 = arith.select %eq3A_528, %broadcast_in_dim3A_530, %select_n3A_522 : vector<16xi1>, vector<16xi32>
      %broadcast_in_dim3A_532 = arith.constant 6 : i32
      %broadcast_in_dim3A_533 = vector.broadcast %broadcast_in_dim3A_532 : i32 to vector<16xi32>
      %broadcast_in_dim3A_534 = vector.shape_cast %broadcast_in_dim3A_533 : vector<16xi32> to vector<16x1xi32>
      %gather3A_535 = vector.shape_cast %broadcast_in_dim3A_534 : vector<16x1xi32> to vector<16xi32>
      %gather3A_536 = tpu.dynamic_gather %add3A_475[%gather3A_535] in [0] : vector<16xi32>, vector<16xi32> -> vector<16xi32>
      %eq3A_537 = arith.cmpi eq, %iota3A, %gather3A_536 : vector<16xi32>
      %jit3A_538 = arith.constant 6 : i32
      %broadcast_in_dim3A_539 = vector.broadcast %jit3A_538 : i32 to vector<16xi32>
      %select_n3A_540 = arith.select %eq3A_537, %broadcast_in_dim3A_539, %select_n3A_531 : vector<16xi1>, vector<16xi32>
      %broadcast_in_dim3A_541 = arith.constant 7 : i32
      %broadcast_in_dim3A_542 = vector.broadcast %broadcast_in_dim3A_541 : i32 to vector<16xi32>
      %broadcast_in_dim3A_543 = vector.shape_cast %broadcast_in_dim3A_542 : vector<16xi32> to vector<16x1xi32>
      %gather3A_544 = vector.shape_cast %broadcast_in_dim3A_543 : vector<16x1xi32> to vector<16xi32>
      %gather3A_545 = tpu.dynamic_gather %add3A_475[%gather3A_544] in [0] : vector<16xi32>, vector<16xi32> -> vector<16xi32>
      %eq3A_546 = arith.cmpi eq, %iota3A, %gather3A_545 : vector<16xi32>
      %jit3A_547 = arith.constant 7 : i32
      %broadcast_in_dim3A_548 = vector.broadcast %jit3A_547 : i32 to vector<16xi32>
      %select_n3A_549 = arith.select %eq3A_546, %broadcast_in_dim3A_548, %select_n3A_540 : vector<16xi1>, vector<16xi32>
      %broadcast_in_dim3A_550 = arith.constant 8 : i32
      %broadcast_in_dim3A_551 = vector.broadcast %broadcast_in_dim3A_550 : i32 to vector<16xi32>
      %broadcast_in_dim3A_552 = vector.shape_cast %broadcast_in_dim3A_551 : vector<16xi32> to vector<16x1xi32>
      %gather3A_553 = vector.shape_cast %broadcast_in_dim3A_552 : vector<16x1xi32> to vector<16xi32>
      %gather3A_554 = tpu.dynamic_gather %add3A_475[%gather3A_553] in [0] : vector<16xi32>, vector<16xi32> -> vector<16xi32>
      %eq3A_555 = arith.cmpi eq, %iota3A, %gather3A_554 : vector<16xi32>
      %jit3A_556 = arith.constant 8 : i32
      %broadcast_in_dim3A_557 = vector.broadcast %jit3A_556 : i32 to vector<16xi32>
      %select_n3A_558 = arith.select %eq3A_555, %broadcast_in_dim3A_557, %select_n3A_549 : vector<16xi1>, vector<16xi32>
      %broadcast_in_dim3A_559 = arith.constant 9 : i32
      %broadcast_in_dim3A_560 = vector.broadcast %broadcast_in_dim3A_559 : i32 to vector<16xi32>
      %broadcast_in_dim3A_561 = vector.shape_cast %broadcast_in_dim3A_560 : vector<16xi32> to vector<16x1xi32>
      %gather3A_562 = vector.shape_cast %broadcast_in_dim3A_561 : vector<16x1xi32> to vector<16xi32>
      %gather3A_563 = tpu.dynamic_gather %add3A_475[%gather3A_562] in [0] : vector<16xi32>, vector<16xi32> -> vector<16xi32>
      %eq3A_564 = arith.cmpi eq, %iota3A, %gather3A_563 : vector<16xi32>
      %jit3A_565 = arith.constant 9 : i32
      %broadcast_in_dim3A_566 = vector.broadcast %jit3A_565 : i32 to vector<16xi32>
      %select_n3A_567 = arith.select %eq3A_564, %broadcast_in_dim3A_566, %select_n3A_558 : vector<16xi1>, vector<16xi32>
      %broadcast_in_dim3A_568 = arith.constant 10 : i32
      %broadcast_in_dim3A_569 = vector.broadcast %broadcast_in_dim3A_568 : i32 to vector<16xi32>
      %broadcast_in_dim3A_570 = vector.shape_cast %broadcast_in_dim3A_569 : vector<16xi32> to vector<16x1xi32>
      %gather3A_571 = vector.shape_cast %broadcast_in_dim3A_570 : vector<16x1xi32> to vector<16xi32>
      %gather3A_572 = tpu.dynamic_gather %add3A_475[%gather3A_571] in [0] : vector<16xi32>, vector<16xi32> -> vector<16xi32>
      %eq3A_573 = arith.cmpi eq, %iota3A, %gather3A_572 : vector<16xi32>
      %jit3A_574 = arith.constant 10 : i32
      %broadcast_in_dim3A_575 = vector.broadcast %jit3A_574 : i32 to vector<16xi32>
      %select_n3A_576 = arith.select %eq3A_573, %broadcast_in_dim3A_575, %select_n3A_567 : vector<16xi1>, vector<16xi32>
      %broadcast_in_dim3A_577 = arith.constant 11 : i32
      %broadcast_in_dim3A_578 = vector.broadcast %broadcast_in_dim3A_577 : i32 to vector<16xi32>
      %broadcast_in_dim3A_579 = vector.shape_cast %broadcast_in_dim3A_578 : vector<16xi32> to vector<16x1xi32>
      %gather3A_580 = vector.shape_cast %broadcast_in_dim3A_579 : vector<16x1xi32> to vector<16xi32>
      %gather3A_581 = tpu.dynamic_gather %add3A_475[%gather3A_580] in [0] : vector<16xi32>, vector<16xi32> -> vector<16xi32>
      %eq3A_582 = arith.cmpi eq, %iota3A, %gather3A_581 : vector<16xi32>
      %jit3A_583 = arith.constant 11 : i32
      %broadcast_in_dim3A_584 = vector.broadcast %jit3A_583 : i32 to vector<16xi32>
      %select_n3A_585 = arith.select %eq3A_582, %broadcast_in_dim3A_584, %select_n3A_576 : vector<16xi1>, vector<16xi32>
      %broadcast_in_dim3A_586 = arith.constant 12 : i32
      %broadcast_in_dim3A_587 = vector.broadcast %broadcast_in_dim3A_586 : i32 to vector<16xi32>
      %broadcast_in_dim3A_588 = vector.shape_cast %broadcast_in_dim3A_587 : vector<16xi32> to vector<16x1xi32>
      %gather3A_589 = vector.shape_cast %broadcast_in_dim3A_588 : vector<16x1xi32> to vector<16xi32>
      %gather3A_590 = tpu.dynamic_gather %add3A_475[%gather3A_589] in [0] : vector<16xi32>, vector<16xi32> -> vector<16xi32>
      %eq3A_591 = arith.cmpi eq, %iota3A, %gather3A_590 : vector<16xi32>
      %jit3A_592 = arith.constant 12 : i32
      %broadcast_in_dim3A_593 = vector.broadcast %jit3A_592 : i32 to vector<16xi32>
      %select_n3A_594 = arith.select %eq3A_591, %broadcast_in_dim3A_593, %select_n3A_585 : vector<16xi1>, vector<16xi32>
      %broadcast_in_dim3A_595 = arith.constant 13 : i32
      %broadcast_in_dim3A_596 = vector.broadcast %broadcast_in_dim3A_595 : i32 to vector<16xi32>
      %broadcast_in_dim3A_597 = vector.shape_cast %broadcast_in_dim3A_596 : vector<16xi32> to vector<16x1xi32>
      %gather3A_598 = vector.shape_cast %broadcast_in_dim3A_597 : vector<16x1xi32> to vector<16xi32>
      %gather3A_599 = tpu.dynamic_gather %add3A_475[%gather3A_598] in [0] : vector<16xi32>, vector<16xi32> -> vector<16xi32>
      %eq3A_600 = arith.cmpi eq, %iota3A, %gather3A_599 : vector<16xi32>
      %jit3A_601 = arith.constant 13 : i32
      %broadcast_in_dim3A_602 = vector.broadcast %jit3A_601 : i32 to vector<16xi32>
      %select_n3A_603 = arith.select %eq3A_600, %broadcast_in_dim3A_602, %select_n3A_594 : vector<16xi1>, vector<16xi32>
      %broadcast_in_dim3A_604 = arith.constant 14 : i32
      %broadcast_in_dim3A_605 = vector.broadcast %broadcast_in_dim3A_604 : i32 to vector<16xi32>
      %broadcast_in_dim3A_606 = vector.shape_cast %broadcast_in_dim3A_605 : vector<16xi32> to vector<16x1xi32>
      %gather3A_607 = vector.shape_cast %broadcast_in_dim3A_606 : vector<16x1xi32> to vector<16xi32>
      %gather3A_608 = tpu.dynamic_gather %add3A_475[%gather3A_607] in [0] : vector<16xi32>, vector<16xi32> -> vector<16xi32>
      %eq3A_609 = arith.cmpi eq, %iota3A, %gather3A_608 : vector<16xi32>
      %jit3A_610 = arith.constant 14 : i32
      %broadcast_in_dim3A_611 = vector.broadcast %jit3A_610 : i32 to vector<16xi32>
      %select_n3A_612 = arith.select %eq3A_609, %broadcast_in_dim3A_611, %select_n3A_603 : vector<16xi1>, vector<16xi32>
      %broadcast_in_dim3A_613 = arith.constant 15 : i32
      %broadcast_in_dim3A_614 = vector.broadcast %broadcast_in_dim3A_613 : i32 to vector<16xi32>
      %broadcast_in_dim3A_615 = vector.shape_cast %broadcast_in_dim3A_614 : vector<16xi32> to vector<16x1xi32>
      %gather3A_616 = vector.shape_cast %broadcast_in_dim3A_615 : vector<16x1xi32> to vector<16xi32>
      %gather3A_617 = tpu.dynamic_gather %add3A_475[%gather3A_616] in [0] : vector<16xi32>, vector<16xi32> -> vector<16xi32>
      %eq3A_618 = arith.cmpi eq, %iota3A, %gather3A_617 : vector<16xi32>
      %jit3A_619 = arith.constant 15 : i32
      %broadcast_in_dim3A_620 = vector.broadcast %jit3A_619 : i32 to vector<16xi32>
      %select_n3A_621 = arith.select %eq3A_618, %broadcast_in_dim3A_620, %select_n3A_612 : vector<16xi1>, vector<16xi32>
      %broadcast_in_dim3A_622 = vector.shape_cast %select_n3A_621 : vector<16xi32> to vector<16x1xi32>
      %gather3A_623 = vector.shape_cast %broadcast_in_dim3A_622 : vector<16x1xi32> to vector<16xi32>
      %gather3A_624 = tpu.dynamic_gather %select_n3A_75[%gather3A_623] in [0] : vector<16xi32>, vector<16xi32> -> vector<16xi32>
      %lt3A_625 = arith.constant 8 : i32
      %lt3A_626 = vector.broadcast %lt3A_625 : i32 to vector<16xi32>
      %lt3A_627 = arith.cmpi slt, %iota3A, %lt3A_626 : vector<16xi32>
      %sub3A = arith.constant 2.000000e+00 : f32
      %sub3A_628 = vector.broadcast %sub3A : f32 to vector<16xf32>
      %sub3A_629 = arith.subf %add3A_462, %sub3A_628 : vector<16xf32>
      %jit3A_630 = arith.constant 0.000000e+00 : f32
      %broadcast_in_dim3A_631 = vector.broadcast %jit3A_630 : f32 to vector<16xf32>
      %select_n3A_632 = arith.select %lt3A_627, %sub3A_629, %broadcast_in_dim3A_631 : vector<16xi1>, vector<16xf32>
      %mul3A = arith.mulf %select_n3A_632, %select_n3A_632 : vector<16xf32>
      %broadcast_in_dim3A_633 = arith.constant 0.000000e+00 : f32
      %broadcast_in_dim3A_634 = vector.broadcast %broadcast_in_dim3A_633 : f32 to vector<16xf32>
      %broadcast_in_dim3A_635 = arith.constant 0 : i32
      %broadcast_in_dim3A_636 = vector.broadcast %broadcast_in_dim3A_635 : i32 to vector<16xi32>
      %broadcast_in_dim3A_637 = vector.shape_cast %broadcast_in_dim3A_636 : vector<16xi32> to vector<16x1xi32>
      %gather3A_638 = vector.shape_cast %broadcast_in_dim3A_637 : vector<16x1xi32> to vector<16xi32>
      %gather3A_639 = tpu.dynamic_gather %mul3A[%gather3A_638] in [0] : vector<16xf32>, vector<16xi32> -> vector<16xf32>
      %add3A_640 = arith.addf %broadcast_in_dim3A_634, %gather3A_639 : vector<16xf32>
      %broadcast_in_dim3A_641 = arith.constant 1 : i32
      %broadcast_in_dim3A_642 = vector.broadcast %broadcast_in_dim3A_641 : i32 to vector<16xi32>
      %broadcast_in_dim3A_643 = vector.shape_cast %broadcast_in_dim3A_642 : vector<16xi32> to vector<16x1xi32>
      %gather3A_644 = vector.shape_cast %broadcast_in_dim3A_643 : vector<16x1xi32> to vector<16xi32>
      %gather3A_645 = tpu.dynamic_gather %mul3A[%gather3A_644] in [0] : vector<16xf32>, vector<16xi32> -> vector<16xf32>
      %add3A_646 = arith.addf %add3A_640, %gather3A_645 : vector<16xf32>
      %broadcast_in_dim3A_647 = arith.constant 2 : i32
      %broadcast_in_dim3A_648 = vector.broadcast %broadcast_in_dim3A_647 : i32 to vector<16xi32>
      %broadcast_in_dim3A_649 = vector.shape_cast %broadcast_in_dim3A_648 : vector<16xi32> to vector<16x1xi32>
      %gather3A_650 = vector.shape_cast %broadcast_in_dim3A_649 : vector<16x1xi32> to vector<16xi32>
      %gather3A_651 = tpu.dynamic_gather %mul3A[%gather3A_650] in [0] : vector<16xf32>, vector<16xi32> -> vector<16xf32>
      %add3A_652 = arith.addf %add3A_646, %gather3A_651 : vector<16xf32>
      %broadcast_in_dim3A_653 = arith.constant 3 : i32
      %broadcast_in_dim3A_654 = vector.broadcast %broadcast_in_dim3A_653 : i32 to vector<16xi32>
      %broadcast_in_dim3A_655 = vector.shape_cast %broadcast_in_dim3A_654 : vector<16xi32> to vector<16x1xi32>
      %gather3A_656 = vector.shape_cast %broadcast_in_dim3A_655 : vector<16x1xi32> to vector<16xi32>
      %gather3A_657 = tpu.dynamic_gather %mul3A[%gather3A_656] in [0] : vector<16xf32>, vector<16xi32> -> vector<16xf32>
      %add3A_658 = arith.addf %add3A_652, %gather3A_657 : vector<16xf32>
      %broadcast_in_dim3A_659 = arith.constant 4 : i32
      %broadcast_in_dim3A_660 = vector.broadcast %broadcast_in_dim3A_659 : i32 to vector<16xi32>
      %broadcast_in_dim3A_661 = vector.shape_cast %broadcast_in_dim3A_660 : vector<16xi32> to vector<16x1xi32>
      %gather3A_662 = vector.shape_cast %broadcast_in_dim3A_661 : vector<16x1xi32> to vector<16xi32>
      %gather3A_663 = tpu.dynamic_gather %mul3A[%gather3A_662] in [0] : vector<16xf32>, vector<16xi32> -> vector<16xf32>
      %add3A_664 = arith.addf %add3A_658, %gather3A_663 : vector<16xf32>
      %broadcast_in_dim3A_665 = arith.constant 5 : i32
      %broadcast_in_dim3A_666 = vector.broadcast %broadcast_in_dim3A_665 : i32 to vector<16xi32>
      %broadcast_in_dim3A_667 = vector.shape_cast %broadcast_in_dim3A_666 : vector<16xi32> to vector<16x1xi32>
      %gather3A_668 = vector.shape_cast %broadcast_in_dim3A_667 : vector<16x1xi32> to vector<16xi32>
      %gather3A_669 = tpu.dynamic_gather %mul3A[%gather3A_668] in [0] : vector<16xf32>, vector<16xi32> -> vector<16xf32>
      %add3A_670 = arith.addf %add3A_664, %gather3A_669 : vector<16xf32>
      %broadcast_in_dim3A_671 = arith.constant 6 : i32
      %broadcast_in_dim3A_672 = vector.broadcast %broadcast_in_dim3A_671 : i32 to vector<16xi32>
      %broadcast_in_dim3A_673 = vector.shape_cast %broadcast_in_dim3A_672 : vector<16xi32> to vector<16x1xi32>
      %gather3A_674 = vector.shape_cast %broadcast_in_dim3A_673 : vector<16x1xi32> to vector<16xi32>
      %gather3A_675 = tpu.dynamic_gather %mul3A[%gather3A_674] in [0] : vector<16xf32>, vector<16xi32> -> vector<16xf32>
      %add3A_676 = arith.addf %add3A_670, %gather3A_675 : vector<16xf32>
      %broadcast_in_dim3A_677 = arith.constant 7 : i32
      %broadcast_in_dim3A_678 = vector.broadcast %broadcast_in_dim3A_677 : i32 to vector<16xi32>
      %broadcast_in_dim3A_679 = vector.shape_cast %broadcast_in_dim3A_678 : vector<16xi32> to vector<16x1xi32>
      %gather3A_680 = vector.shape_cast %broadcast_in_dim3A_679 : vector<16x1xi32> to vector<16xi32>
      %gather3A_681 = tpu.dynamic_gather %mul3A[%gather3A_680] in [0] : vector<16xf32>, vector<16xi32> -> vector<16xf32>
      %add3A_682 = arith.addf %add3A_676, %gather3A_681 : vector<16xf32>
      %mul3A_683 = arith.constant 0.0714285746 : f32
      %mul3A_684 = vector.broadcast %mul3A_683 : f32 to vector<16xf32>
      %mul3A_685 = arith.mulf %add3A_682, %mul3A_684 : vector<16xf32>
      %swap3A = arith.constant 0 : index
      %swap3A_686 = tpu.vector_load %arg7[%swap3A] {strides = array<i32>} : memref<16xi32, #tpu.memory_space<vmem>>, vector<16xi32>,
      %swap3A_687 = vector.shape_cast %swap3A_686 : vector<16xi32> to vector<16xi32>
      %swap3A_688 = vector.shape_cast %select_n3A_621 : vector<16xi32> to vector<16xi32>
      tpu.vector_store %arg7[%swap3A], %swap3A_688 {strides = array<i32>} : memref<16xi32, #tpu.memory_space<vmem>>, vector<16xi32>,
      %swap3A_689 = arith.constant 0 : index
      %swap3A_690 = tpu.vector_load %arg8[%swap3A_689] {strides = array<i32>} : memref<16xi32, #tpu.memory_space<vmem>>, vector<16xi32>,
      %swap3A_691 = vector.shape_cast %swap3A_690 : vector<16xi32> to vector<16xi32>
      %swap3A_692 = vector.shape_cast %gather3A_624 : vector<16xi32> to vector<16xi32>
      tpu.vector_store %arg8[%swap3A_689], %swap3A_692 {strides = array<i32>} : memref<16xi32, #tpu.memory_space<vmem>>, vector<16xi32>,
      %swap3A_693 = arith.constant 0 : index
      %swap3A_694 = tpu.vector_load %arg9[%swap3A_693] {strides = array<i32>} : memref<16xf32, #tpu.memory_space<vmem>>, vector<16xf32>,
      %swap3A_695 = vector.shape_cast %swap3A_694 : vector<16xf32> to vector<16xf32>
      %swap3A_696 = vector.shape_cast %mul3A_685 : vector<16xf32> to vector<16xf32>
      tpu.vector_store %arg9[%swap3A_693], %swap3A_696 {strides = array<i32>} : memref<16xf32, #tpu.memory_space<vmem>>, vector<16xf32>,
      "tpu.region"() ({
        %run_scoped3A = tpu.sem_alloc : memref<!tpu.dma_semaphore, #tpu.memory_space<semaphore_mem>>
        tpu.enqueue_dma source(%arg7 : memref<16xi32, #tpu.memory_space<vmem>>) target(%arg3 : memref<16xi32, #tpu.memory_space<hbm>>) target_semaphore(%run_scoped3A : memref<!tpu.dma_semaphore, #tpu.memory_space<semaphore_mem>>)
        tpu.wait_dma2 semaphore(%run_scoped3A : memref<!tpu.dma_semaphore, #tpu.memory_space<semaphore_mem>>) src(%arg7 : memref<16xi32, #tpu.memory_space<vmem>>) dst(%arg3 : memref<16xi32, #tpu.memory_space<hbm>>)
        tpu.yield
      }) : () -> ()
      "tpu.region"() ({
        %run_scoped3A = tpu.sem_alloc : memref<!tpu.dma_semaphore, #tpu.memory_space<semaphore_mem>>
        tpu.enqueue_dma source(%arg8 : memref<16xi32, #tpu.memory_space<vmem>>) target(%arg4 : memref<16xi32, #tpu.memory_space<hbm>>) target_semaphore(%run_scoped3A : memref<!tpu.dma_semaphore, #tpu.memory_space<semaphore_mem>>)
        tpu.wait_dma2 semaphore(%run_scoped3A : memref<!tpu.dma_semaphore, #tpu.memory_space<semaphore_mem>>) src(%arg8 : memref<16xi32, #tpu.memory_space<vmem>>) dst(%arg4 : memref<16xi32, #tpu.memory_space<hbm>>)
        tpu.yield
      }) : () -> ()
      "tpu.region"() ({
        %run_scoped3A = tpu.sem_alloc : memref<!tpu.dma_semaphore, #tpu.memory_space<semaphore_mem>>
        tpu.enqueue_dma source(%arg9 : memref<16xf32, #tpu.memory_space<vmem>>) target(%arg5 : memref<16xf32, #tpu.memory_space<hbm>>) target_semaphore(%run_scoped3A : memref<!tpu.dma_semaphore, #tpu.memory_space<semaphore_mem>>)
        tpu.wait_dma2 semaphore(%run_scoped3A : memref<!tpu.dma_semaphore, #tpu.memory_space<semaphore_mem>>) src(%arg9 : memref<16xf32, #tpu.memory_space<vmem>>) dst(%arg5 : memref<16xf32, #tpu.memory_space<hbm>>)
        tpu.yield
      }) : () -> ()
    } else {
    }
    return
  }
}

module attributes {stable_mosaic.version = 14 : i64} {
  func.func @_im2col_logits_body(%arg0: i32, %arg1: memref<1x768x320xf32, #tpu.memory_space<vmem>>, %arg2: memref<768x1xf32, #tpu.memory_space<vmem>>, %arg3: memref<1x1xf32, #tpu.memory_space<vmem>>, %arg4: memref<320x8xf32, #tpu.memory_space<vmem>>, %arg5: memref<320x768xf32, #tpu.memory_space<vmem>>, %arg6: memref<8x16xf32, #tpu.memory_space<vmem>>, %arg7: memref<16x8xf32, #tpu.memory_space<vmem>>) attributes {dimension_semantics = [#tpu.dimension_semantics<arbitrary>], iteration_bounds = array<i64: 16>, scalar_prefetch = 0 : i64, scratch_operands = 1 : i64, tpu.core_type = #tpu.core_type<tc>, window_params = [{transform_indices = @transform_0, window_bounds = array<i64: 1, 768, 320>}, {pipeline_mode = #tpu.pipeline_mode<synchronous>, transform_indices = @transform_1, window_bounds = array<i64: 768, 1>}, {pipeline_mode = #tpu.pipeline_mode<synchronous>, transform_indices = @transform_2, window_bounds = array<i64: 1, 1>}, {pipeline_mode = #tpu.pipeline_mode<synchronous>, transform_indices = @transform_3, window_bounds = array<i64: 320, 8>}, {transform_indices = @transform_4, window_bounds = array<i64: 320, 768>}, {pipeline_mode = #tpu.pipeline_mode<synchronous>, transform_indices = @transform_5, window_bounds = array<i64: 8, 16>}]} {
    %get3A = arith.constant 0 : index
    %get3A_0 = arith.constant 0 : index
    %get3A_1 = arith.constant 0 : index
    %get3A_2 = vector.load %arg1[%get3A, %get3A_0, %get3A_1] : memref<1x768x320xf32, #tpu.memory_space<vmem>>, vector<1x768x320xf32>
    %get3A_3 = vector.shape_cast %get3A_2 : vector<1x768x320xf32> to vector<768x320xf32>
    %reshape3A = vector.shape_cast %get3A_3 : vector<768x320xf32> to vector<3x256x320xf32>
    %slice3A = vector.extract_strided_slice %reshape3A {offsets = [0, 0, 0], sizes = [3, 16, 320], strides = [1, 1, 1]} : vector<3x256x320xf32> to vector<3x16x320xf32>
    %reshape3A_4 = vector.shape_cast %slice3A : vector<3x16x320xf32> to vector<48x320xf32>
    %transpose3A = tpu.transpose %reshape3A_4, [1, 0] : vector<48x320xf32> -> vector<320x48xf32>
    %reshape3A_5 = vector.shape_cast %transpose3A : vector<320x48xf32> to vector<20x16x48xf32>
    %transpose3A_6 = tpu.transpose %reshape3A_5, [0, 2, 1] : vector<20x16x48xf32> -> vector<20x48x16xf32>
    %reshape3A_7 = vector.shape_cast %transpose3A_6 : vector<20x48x16xf32> to vector<20x768xf32>
    %slice3A_8 = vector.extract_strided_slice %reshape3A {offsets = [0, 16, 0], sizes = [3, 16, 320], strides = [1, 1, 1]} : vector<3x256x320xf32> to vector<3x16x320xf32>
    %reshape3A_9 = vector.shape_cast %slice3A_8 : vector<3x16x320xf32> to vector<48x320xf32>
    %transpose3A_10 = tpu.transpose %reshape3A_9, [1, 0] : vector<48x320xf32> -> vector<320x48xf32>
    %reshape3A_11 = vector.shape_cast %transpose3A_10 : vector<320x48xf32> to vector<20x16x48xf32>
    %transpose3A_12 = tpu.transpose %reshape3A_11, [0, 2, 1] : vector<20x16x48xf32> -> vector<20x48x16xf32>
    %reshape3A_13 = vector.shape_cast %transpose3A_12 : vector<20x48x16xf32> to vector<20x768xf32>
    %slice3A_14 = vector.extract_strided_slice %reshape3A {offsets = [0, 32, 0], sizes = [3, 16, 320], strides = [1, 1, 1]} : vector<3x256x320xf32> to vector<3x16x320xf32>
    %reshape3A_15 = vector.shape_cast %slice3A_14 : vector<3x16x320xf32> to vector<48x320xf32>
    %transpose3A_16 = tpu.transpose %reshape3A_15, [1, 0] : vector<48x320xf32> -> vector<320x48xf32>
    %reshape3A_17 = vector.shape_cast %transpose3A_16 : vector<320x48xf32> to vector<20x16x48xf32>
    %transpose3A_18 = tpu.transpose %reshape3A_17, [0, 2, 1] : vector<20x16x48xf32> -> vector<20x48x16xf32>
    %reshape3A_19 = vector.shape_cast %transpose3A_18 : vector<20x48x16xf32> to vector<20x768xf32>
    %slice3A_20 = vector.extract_strided_slice %reshape3A {offsets = [0, 48, 0], sizes = [3, 16, 320], strides = [1, 1, 1]} : vector<3x256x320xf32> to vector<3x16x320xf32>
    %reshape3A_21 = vector.shape_cast %slice3A_20 : vector<3x16x320xf32> to vector<48x320xf32>
    %transpose3A_22 = tpu.transpose %reshape3A_21, [1, 0] : vector<48x320xf32> -> vector<320x48xf32>
    %reshape3A_23 = vector.shape_cast %transpose3A_22 : vector<320x48xf32> to vector<20x16x48xf32>
    %transpose3A_24 = tpu.transpose %reshape3A_23, [0, 2, 1] : vector<20x16x48xf32> -> vector<20x48x16xf32>
    %reshape3A_25 = vector.shape_cast %transpose3A_24 : vector<20x48x16xf32> to vector<20x768xf32>
    %slice3A_26 = vector.extract_strided_slice %reshape3A {offsets = [0, 64, 0], sizes = [3, 16, 320], strides = [1, 1, 1]} : vector<3x256x320xf32> to vector<3x16x320xf32>
    %reshape3A_27 = vector.shape_cast %slice3A_26 : vector<3x16x320xf32> to vector<48x320xf32>
    %transpose3A_28 = tpu.transpose %reshape3A_27, [1, 0] : vector<48x320xf32> -> vector<320x48xf32>
    %reshape3A_29 = vector.shape_cast %transpose3A_28 : vector<320x48xf32> to vector<20x16x48xf32>
    %transpose3A_30 = tpu.transpose %reshape3A_29, [0, 2, 1] : vector<20x16x48xf32> -> vector<20x48x16xf32>
    %reshape3A_31 = vector.shape_cast %transpose3A_30 : vector<20x48x16xf32> to vector<20x768xf32>
    %slice3A_32 = vector.extract_strided_slice %reshape3A {offsets = [0, 80, 0], sizes = [3, 16, 320], strides = [1, 1, 1]} : vector<3x256x320xf32> to vector<3x16x320xf32>
    %reshape3A_33 = vector.shape_cast %slice3A_32 : vector<3x16x320xf32> to vector<48x320xf32>
    %transpose3A_34 = tpu.transpose %reshape3A_33, [1, 0] : vector<48x320xf32> -> vector<320x48xf32>
    %reshape3A_35 = vector.shape_cast %transpose3A_34 : vector<320x48xf32> to vector<20x16x48xf32>
    %transpose3A_36 = tpu.transpose %reshape3A_35, [0, 2, 1] : vector<20x16x48xf32> -> vector<20x48x16xf32>
    %reshape3A_37 = vector.shape_cast %transpose3A_36 : vector<20x48x16xf32> to vector<20x768xf32>
    %slice3A_38 = vector.extract_strided_slice %reshape3A {offsets = [0, 96, 0], sizes = [3, 16, 320], strides = [1, 1, 1]} : vector<3x256x320xf32> to vector<3x16x320xf32>
    %reshape3A_39 = vector.shape_cast %slice3A_38 : vector<3x16x320xf32> to vector<48x320xf32>
    %transpose3A_40 = tpu.transpose %reshape3A_39, [1, 0] : vector<48x320xf32> -> vector<320x48xf32>
    %reshape3A_41 = vector.shape_cast %transpose3A_40 : vector<320x48xf32> to vector<20x16x48xf32>
    %transpose3A_42 = tpu.transpose %reshape3A_41, [0, 2, 1] : vector<20x16x48xf32> -> vector<20x48x16xf32>
    %reshape3A_43 = vector.shape_cast %transpose3A_42 : vector<20x48x16xf32> to vector<20x768xf32>
    %slice3A_44 = vector.extract_strided_slice %reshape3A {offsets = [0, 112, 0], sizes = [3, 16, 320], strides = [1, 1, 1]} : vector<3x256x320xf32> to vector<3x16x320xf32>
    %reshape3A_45 = vector.shape_cast %slice3A_44 : vector<3x16x320xf32> to vector<48x320xf32>
    %transpose3A_46 = tpu.transpose %reshape3A_45, [1, 0] : vector<48x320xf32> -> vector<320x48xf32>
    %reshape3A_47 = vector.shape_cast %transpose3A_46 : vector<320x48xf32> to vector<20x16x48xf32>
    %transpose3A_48 = tpu.transpose %reshape3A_47, [0, 2, 1] : vector<20x16x48xf32> -> vector<20x48x16xf32>
    %reshape3A_49 = vector.shape_cast %transpose3A_48 : vector<20x48x16xf32> to vector<20x768xf32>
    %slice3A_50 = vector.extract_strided_slice %reshape3A {offsets = [0, 128, 0], sizes = [3, 16, 320], strides = [1, 1, 1]} : vector<3x256x320xf32> to vector<3x16x320xf32>
    %reshape3A_51 = vector.shape_cast %slice3A_50 : vector<3x16x320xf32> to vector<48x320xf32>
    %transpose3A_52 = tpu.transpose %reshape3A_51, [1, 0] : vector<48x320xf32> -> vector<320x48xf32>
    %reshape3A_53 = vector.shape_cast %transpose3A_52 : vector<320x48xf32> to vector<20x16x48xf32>
    %transpose3A_54 = tpu.transpose %reshape3A_53, [0, 2, 1] : vector<20x16x48xf32> -> vector<20x48x16xf32>
    %reshape3A_55 = vector.shape_cast %transpose3A_54 : vector<20x48x16xf32> to vector<20x768xf32>
    %slice3A_56 = vector.extract_strided_slice %reshape3A {offsets = [0, 144, 0], sizes = [3, 16, 320], strides = [1, 1, 1]} : vector<3x256x320xf32> to vector<3x16x320xf32>
    %reshape3A_57 = vector.shape_cast %slice3A_56 : vector<3x16x320xf32> to vector<48x320xf32>
    %transpose3A_58 = tpu.transpose %reshape3A_57, [1, 0] : vector<48x320xf32> -> vector<320x48xf32>
    %reshape3A_59 = vector.shape_cast %transpose3A_58 : vector<320x48xf32> to vector<20x16x48xf32>
    %transpose3A_60 = tpu.transpose %reshape3A_59, [0, 2, 1] : vector<20x16x48xf32> -> vector<20x48x16xf32>
    %reshape3A_61 = vector.shape_cast %transpose3A_60 : vector<20x48x16xf32> to vector<20x768xf32>
    %slice3A_62 = vector.extract_strided_slice %reshape3A {offsets = [0, 160, 0], sizes = [3, 16, 320], strides = [1, 1, 1]} : vector<3x256x320xf32> to vector<3x16x320xf32>
    %reshape3A_63 = vector.shape_cast %slice3A_62 : vector<3x16x320xf32> to vector<48x320xf32>
    %transpose3A_64 = tpu.transpose %reshape3A_63, [1, 0] : vector<48x320xf32> -> vector<320x48xf32>
    %reshape3A_65 = vector.shape_cast %transpose3A_64 : vector<320x48xf32> to vector<20x16x48xf32>
    %transpose3A_66 = tpu.transpose %reshape3A_65, [0, 2, 1] : vector<20x16x48xf32> -> vector<20x48x16xf32>
    %reshape3A_67 = vector.shape_cast %transpose3A_66 : vector<20x48x16xf32> to vector<20x768xf32>
    %slice3A_68 = vector.extract_strided_slice %reshape3A {offsets = [0, 176, 0], sizes = [3, 16, 320], strides = [1, 1, 1]} : vector<3x256x320xf32> to vector<3x16x320xf32>
    %reshape3A_69 = vector.shape_cast %slice3A_68 : vector<3x16x320xf32> to vector<48x320xf32>
    %transpose3A_70 = tpu.transpose %reshape3A_69, [1, 0] : vector<48x320xf32> -> vector<320x48xf32>
    %reshape3A_71 = vector.shape_cast %transpose3A_70 : vector<320x48xf32> to vector<20x16x48xf32>
    %transpose3A_72 = tpu.transpose %reshape3A_71, [0, 2, 1] : vector<20x16x48xf32> -> vector<20x48x16xf32>
    %reshape3A_73 = vector.shape_cast %transpose3A_72 : vector<20x48x16xf32> to vector<20x768xf32>
    %slice3A_74 = vector.extract_strided_slice %reshape3A {offsets = [0, 192, 0], sizes = [3, 16, 320], strides = [1, 1, 1]} : vector<3x256x320xf32> to vector<3x16x320xf32>
    %reshape3A_75 = vector.shape_cast %slice3A_74 : vector<3x16x320xf32> to vector<48x320xf32>
    %transpose3A_76 = tpu.transpose %reshape3A_75, [1, 0] : vector<48x320xf32> -> vector<320x48xf32>
    %reshape3A_77 = vector.shape_cast %transpose3A_76 : vector<320x48xf32> to vector<20x16x48xf32>
    %transpose3A_78 = tpu.transpose %reshape3A_77, [0, 2, 1] : vector<20x16x48xf32> -> vector<20x48x16xf32>
    %reshape3A_79 = vector.shape_cast %transpose3A_78 : vector<20x48x16xf32> to vector<20x768xf32>
    %slice3A_80 = vector.extract_strided_slice %reshape3A {offsets = [0, 208, 0], sizes = [3, 16, 320], strides = [1, 1, 1]} : vector<3x256x320xf32> to vector<3x16x320xf32>
    %reshape3A_81 = vector.shape_cast %slice3A_80 : vector<3x16x320xf32> to vector<48x320xf32>
    %transpose3A_82 = tpu.transpose %reshape3A_81, [1, 0] : vector<48x320xf32> -> vector<320x48xf32>
    %reshape3A_83 = vector.shape_cast %transpose3A_82 : vector<320x48xf32> to vector<20x16x48xf32>
    %transpose3A_84 = tpu.transpose %reshape3A_83, [0, 2, 1] : vector<20x16x48xf32> -> vector<20x48x16xf32>
    %reshape3A_85 = vector.shape_cast %transpose3A_84 : vector<20x48x16xf32> to vector<20x768xf32>
    %slice3A_86 = vector.extract_strided_slice %reshape3A {offsets = [0, 224, 0], sizes = [3, 16, 320], strides = [1, 1, 1]} : vector<3x256x320xf32> to vector<3x16x320xf32>
    %reshape3A_87 = vector.shape_cast %slice3A_86 : vector<3x16x320xf32> to vector<48x320xf32>
    %transpose3A_88 = tpu.transpose %reshape3A_87, [1, 0] : vector<48x320xf32> -> vector<320x48xf32>
    %reshape3A_89 = vector.shape_cast %transpose3A_88 : vector<320x48xf32> to vector<20x16x48xf32>
    %transpose3A_90 = tpu.transpose %reshape3A_89, [0, 2, 1] : vector<20x16x48xf32> -> vector<20x48x16xf32>
    %reshape3A_91 = vector.shape_cast %transpose3A_90 : vector<20x48x16xf32> to vector<20x768xf32>
    %slice3A_92 = vector.extract_strided_slice %reshape3A {offsets = [0, 240, 0], sizes = [3, 16, 320], strides = [1, 1, 1]} : vector<3x256x320xf32> to vector<3x16x320xf32>
    %reshape3A_93 = vector.shape_cast %slice3A_92 : vector<3x16x320xf32> to vector<48x320xf32>
    %transpose3A_94 = tpu.transpose %reshape3A_93, [1, 0] : vector<48x320xf32> -> vector<320x48xf32>
    %reshape3A_95 = vector.shape_cast %transpose3A_94 : vector<320x48xf32> to vector<20x16x48xf32>
    %transpose3A_96 = tpu.transpose %reshape3A_95, [0, 2, 1] : vector<20x16x48xf32> -> vector<20x48x16xf32>
    %reshape3A_97 = vector.shape_cast %transpose3A_96 : vector<20x48x16xf32> to vector<20x768xf32>
    %concatenate3A = tpu.concatenate %reshape3A_7, %reshape3A_13, %reshape3A_19, %reshape3A_25, %reshape3A_31, %reshape3A_37, %reshape3A_43, %reshape3A_49, %reshape3A_55, %reshape3A_61, %reshape3A_67, %reshape3A_73, %reshape3A_79, %reshape3A_85, %reshape3A_91, %reshape3A_97 in 0 : vector<20x768xf32>, vector<20x768xf32>, vector<20x768xf32>, vector<20x768xf32>, vector<20x768xf32>, vector<20x768xf32>, vector<20x768xf32>, vector<20x768xf32>, vector<20x768xf32>, vector<20x768xf32>, vector<20x768xf32>, vector<20x768xf32>, vector<20x768xf32>, vector<20x768xf32>, vector<20x768xf32>, vector<20x768xf32> -> vector<320x768xf32>
    %swap3A = arith.constant 0 : index
    %swap3A_98 = arith.constant 0 : index
    %swap3A_99 = vector.load %arg5[%swap3A, %swap3A_98] : memref<320x768xf32, #tpu.memory_space<vmem>>, vector<320x768xf32>
    tpu.vector_store %arg5[%swap3A, %swap3A_98], %concatenate3A {strides = array<i32>} : memref<320x768xf32, #tpu.memory_space<vmem>>, vector<320x768xf32>,
    %get3A_100 = arith.constant 0 : index
    %get3A_101 = arith.constant 0 : index
    %get3A_102 = vector.load %arg2[%get3A_100, %get3A_101] : memref<768x1xf32, #tpu.memory_space<vmem>>, vector<768x1xf32>
    %dot_general3A = arith.constant dense<0.000000e+00> : vector<320x1xf32>
    %dot_general3A_103 = tpu.matmul %concatenate3A, %get3A_102, %dot_general3A {dimension_numbers = #tpu.dot_dimension_numbers<[1], [0], [0], [1], [0, 0, 1, 1], [], []>, transpose_lhs_hint = false} : vector<320x768xf32>, vector<768x1xf32>, vector<320x1xf32> -> vector<320x1xf32>
    %get3A_104 = arith.constant 0 : index
    %get3A_105 = arith.constant 0 : index
    %get3A_106 = vector.load %arg3[%get3A_104, %get3A_105] : memref<1x1xf32, #tpu.memory_space<vmem>>, vector<1x1xf32>
    %get3A_107 = vector.extract %get3A_106[0, 0] : f32 from vector<1x1xf32>
    %add3A = vector.broadcast %get3A_107 : f32 to vector<320x1xf32>
    %add3A_108 = arith.addf %dot_general3A_103, %add3A : vector<320x1xf32>
    %get3A_109 = arith.constant 0 : index
    %get3A_110 = arith.constant 0 : index
    %get3A_111 = vector.load %arg4[%get3A_109, %get3A_110] : memref<320x8xf32, #tpu.memory_space<vmem>>, vector<320x8xf32>
    %dot_general3A_112 = arith.constant dense<0.000000e+00> : vector<1x8xf32>
    %dot_general3A_113 = tpu.matmul %add3A_108, %get3A_111, %dot_general3A_112 {dimension_numbers = #tpu.dot_dimension_numbers<[0], [0], [1], [1], [0, 1, 1, 1], [], []>, transpose_lhs_hint = false} : vector<320x1xf32>, vector<320x8xf32>, vector<1x8xf32> -> vector<1x8xf32>
    %swap3A_114 = arith.index_cast %arg0 : i32 to index
    %swap3A_115 = arith.constant 0 : index
    %swap3A_116 = vector.load %arg7[%swap3A_114, %swap3A_115] : memref<16x8xf32, #tpu.memory_space<vmem>>, vector<1x8xf32>
    tpu.vector_store %arg7[%swap3A_114, %swap3A_115], %dot_general3A_113 {strides = array<i32>} : memref<16x8xf32, #tpu.memory_space<vmem>>, vector<1x8xf32>,
    %eq3A = arith.constant 15 : i32
    %eq3A_117 = arith.cmpi eq, %arg0, %eq3A : i32
    %convert_element_type3A = arith.extui %eq3A_117 : i1 to i32
    %cond3A = arith.constant 0 : i32
    %cond3A_118 = arith.cmpi ne, %convert_element_type3A, %cond3A : i32
    scf.if %cond3A_118 {
      %get3A_119 = arith.constant 0 : index
      %get3A_120 = arith.constant 0 : index
      %get3A_121 = vector.load %arg7[%get3A_119, %get3A_120] : memref<16x8xf32, #tpu.memory_space<vmem>>, vector<16x8xf32>
      %transpose3A_122 = tpu.transpose %get3A_121, [1, 0] : vector<16x8xf32> -> vector<8x16xf32>
      %swap3A_123 = arith.constant 0 : index
      %swap3A_124 = arith.constant 0 : index
      %swap3A_125 = vector.load %arg6[%swap3A_123, %swap3A_124] : memref<8x16xf32, #tpu.memory_space<vmem>>, vector<8x16xf32>
      tpu.vector_store %arg6[%swap3A_123, %swap3A_124], %transpose3A_122 {strides = array<i32>} : memref<8x16xf32, #tpu.memory_space<vmem>>, vector<8x16xf32>,
    } else {
    }
    return
  }
  func.func @transform_0(%arg0: i32) -> (i32, i32, i32) {
    %c0_i32 = arith.constant 0 : i32
    %c0_i32_0 = arith.constant 0 : i32
    %c0_i32_1 = arith.constant 0 : i32
    return %arg0, %c0_i32, %c0_i32_0 : i32, i32, i32
  }
  func.func @transform_1(%arg0: i32) -> (i32, i32) {
    %c0_i32 = arith.constant 0 : i32
    %c0_i32_0 = arith.constant 0 : i32
    %c0_i32_1 = arith.constant 0 : i32
    return %c0_i32, %c0_i32_0 : i32, i32
  }
  func.func @transform_2(%arg0: i32) -> (i32, i32) {
    %c0_i32 = arith.constant 0 : i32
    %c0_i32_0 = arith.constant 0 : i32
    %c0_i32_1 = arith.constant 0 : i32
    return %c0_i32, %c0_i32_0 : i32, i32
  }
  func.func @transform_3(%arg0: i32) -> (i32, i32) {
    %c0_i32 = arith.constant 0 : i32
    %c0_i32_0 = arith.constant 0 : i32
    %c0_i32_1 = arith.constant 0 : i32
    return %c0_i32, %c0_i32_0 : i32, i32
  }
  func.func @transform_4(%arg0: i32) -> (i32, i32) {
    %c0_i32 = arith.constant 0 : i32
    %c0_i32_0 = arith.constant 0 : i32
    return %arg0, %c0_i32 : i32, i32
  }
  func.func @transform_5(%arg0: i32) -> (i32, i32) {
    %c0_i32 = arith.constant 0 : i32
    %c0_i32_0 = arith.constant 0 : i32
    %c0_i32_1 = arith.constant 0 : i32
    return %c0_i32, %c0_i32_0 : i32, i32
  }
}

module attributes {stable_mosaic.version = 14 : i64} {
  func.func @_dispatch_body(%arg0: i32, %arg1: memref<16xi32, #tpu.memory_space<smem>>, %arg2: memref<16xi32, #tpu.memory_space<smem>>, %arg3: memref<320x768xf32, #tpu.memory_space<vmem>>, %arg4: memref<1x3x16x16x768xf32, #tpu.memory_space<vmem>>, %arg5: memref<1x1x768xf32, #tpu.memory_space<vmem>>, %arg6: memref<320x768xf32, #tpu.memory_space<vmem>>) attributes {dimension_semantics = [#tpu.dimension_semantics<arbitrary>], iteration_bounds = array<i64: 16>, scalar_prefetch = 2 : i64, scratch_operands = 0 : i64, tpu.core_type = #tpu.core_type<tc>, window_params = [{transform_indices = @transform_0, window_bounds = array<i64: 320, 768>}, {transform_indices = @transform_1, window_bounds = array<i64: 1, 3, 16, 16, 768>}, {transform_indices = @transform_2, window_bounds = array<i64: 1, 1, 768>}, {transform_indices = @transform_3, window_bounds = array<i64: 320, 768>}]} {
    %get3A = arith.constant 0 : index
    %get3A_0 = arith.constant 0 : index
    %get3A_1 = arith.constant 0 : index
    %get3A_2 = arith.constant 0 : index
    %get3A_3 = arith.constant 0 : index
    %get3A_4 = vector.load %arg4[%get3A, %get3A_0, %get3A_1, %get3A_2, %get3A_3] : memref<1x3x16x16x768xf32, #tpu.memory_space<vmem>>, vector<1x3x16x16x768xf32>
    %get3A_5 = vector.shape_cast %get3A_4 : vector<1x3x16x16x768xf32> to vector<3x16x16x768xf32>
    %reshape3A = vector.shape_cast %get3A_5 : vector<3x16x16x768xf32> to vector<768x768xf32>
    %get3A_6 = arith.constant 0 : index
    %get3A_7 = arith.constant 0 : index
    %get3A_8 = vector.load %arg3[%get3A_6, %get3A_7] : memref<320x768xf32, #tpu.memory_space<vmem>>, vector<320x768xf32>
    %dot_general3A = arith.constant dense<0.000000e+00> : vector<320x768xf32>
    %dot_general3A_9 = tpu.matmul %get3A_8, %reshape3A, %dot_general3A {dimension_numbers = #tpu.dot_dimension_numbers<[1], [0], [0], [1], [0, 0, 1, 1], [], []>, transpose_lhs_hint = false} : vector<320x768xf32>, vector<768x768xf32>, vector<320x768xf32> -> vector<320x768xf32>
    %get3A_10 = arith.constant 0 : index
    %get3A_11 = arith.constant 0 : index
    %get3A_12 = arith.constant 0 : index
    %get3A_13 = vector.load %arg5[%get3A_10, %get3A_11, %get3A_12] : memref<1x1x768xf32, #tpu.memory_space<vmem>>, vector<1x1x768xf32>
    %get3A_14 = vector.shape_cast %get3A_13 : vector<1x1x768xf32> to vector<1x768xf32>
    %add3A = vector.broadcast %get3A_14 : vector<1x768xf32> to vector<320x768xf32>
    %add3A_15 = arith.addf %dot_general3A_9, %add3A : vector<320x768xf32>
    %eq3A = arith.constant 0.000000e+00 : f32
    %eq3A_16 = vector.broadcast %eq3A : f32 to vector<320x768xf32>
    %eq3A_17 = arith.cmpf oeq, %add3A_15, %eq3A_16 : vector<320x768xf32>
    %jit3A = arith.constant 2.22044605E-16 : f32
    %broadcast_in_dim3A = vector.broadcast %jit3A : f32 to vector<320x768xf32>
    %select_n3A = arith.select %eq3A_17, %broadcast_in_dim3A, %add3A_15 : vector<320x768xi1>, vector<320x768xf32>
    %swap3A = arith.constant 0 : index
    %swap3A_18 = arith.constant 0 : index
    %swap3A_19 = vector.load %arg6[%swap3A, %swap3A_18] : memref<320x768xf32, #tpu.memory_space<vmem>>, vector<320x768xf32>
    tpu.vector_store %arg6[%swap3A, %swap3A_18], %select_n3A {strides = array<i32>} : memref<320x768xf32, #tpu.memory_space<vmem>>, vector<320x768xf32>,
    return
  }
  func.func @transform_0(%arg0: i32, %arg1: memref<16xi32, #tpu.memory_space<smem>>, %arg2: memref<16xi32, #tpu.memory_space<smem>>) -> (i32, i32) {
    %get3A = arith.index_cast %arg0 : i32 to index
    %get3A_0 = memref.load %arg1[%get3A] : memref<16xi32, #tpu.memory_space<smem>>
    %c0_i32 = arith.constant 0 : i32
    %c0_i32_1 = arith.constant 0 : i32
    return %get3A_0, %c0_i32 : i32, i32
  }
  func.func @transform_1(%arg0: i32, %arg1: memref<16xi32, #tpu.memory_space<smem>>, %arg2: memref<16xi32, #tpu.memory_space<smem>>) -> (i32, i32, i32, i32, i32) {
    %get3A = arith.index_cast %arg0 : i32 to index
    %get3A_0 = memref.load %arg2[%get3A] : memref<16xi32, #tpu.memory_space<smem>>
    %c0_i32 = arith.constant 0 : i32
    %c0_i32_1 = arith.constant 0 : i32
    %c0_i32_2 = arith.constant 0 : i32
    %c0_i32_3 = arith.constant 0 : i32
    %c0_i32_4 = arith.constant 0 : i32
    return %get3A_0, %c0_i32, %c0_i32_1, %c0_i32_2, %c0_i32_3 : i32, i32, i32, i32, i32
  }
  func.func @transform_2(%arg0: i32, %arg1: memref<16xi32, #tpu.memory_space<smem>>, %arg2: memref<16xi32, #tpu.memory_space<smem>>) -> (i32, i32, i32) {
    %get3A = arith.index_cast %arg0 : i32 to index
    %get3A_0 = memref.load %arg2[%get3A] : memref<16xi32, #tpu.memory_space<smem>>
    %c0_i32 = arith.constant 0 : i32
    %c0_i32_1 = arith.constant 0 : i32
    %c0_i32_2 = arith.constant 0 : i32
    return %get3A_0, %c0_i32, %c0_i32_1 : i32, i32, i32
  }
  func.func @transform_3(%arg0: i32, %arg1: memref<16xi32, #tpu.memory_space<smem>>, %arg2: memref<16xi32, #tpu.memory_space<smem>>) -> (i32, i32) {
    %get3A = arith.index_cast %arg0 : i32 to index
    %get3A_0 = memref.load %arg1[%get3A] : memref<16xi32, #tpu.memory_space<smem>>
    %c0_i32 = arith.constant 0 : i32
    %c0_i32_1 = arith.constant 0 : i32
    return %get3A_0, %c0_i32 : i32, i32
  }
}

</mosaic_0001>

<sc_bundles>
// kernel: kernel.5.cloned.1.call-start
scs
__scs_entry_jumppad:
0x0: {  	(pc) =	sbr.rel $0x88, $3  }
0x1: {  	(tag) =	ssettag $0x0;
	lr =	simm.s32 $0x1  }
0x2: {  	[smem:$0x3F9B] =	sst lr;
	_ =	strace $0xD0000000  }
0x3: {  	_ = 	snop  }
0x4: {  	_ = 	snop  }
0x5: {  	_ = 	snop  }
0x6: {  	_ = 	snop  }
0x7: {  	_ = 	snop  }
__scs_overlays_trampoline_lowered:
0x8: {  	[smem:$0x3FAA] =	sst s0  }
0x9: {  	[smem:$0x3FAB] =	sst s1  }
0xa: {  	[smem:$0x3FAC] =	sst s2  }
0xb: {  	[smem:$0x3FAD] =	sst s3  }
0xc: {  	[smem:$0x3FAE] =	sst s4  }
0xd: {  	[smem:$0x3FAF] =	sst s5  }
0xe: {  	[smem:$0x3FB0] =	sst s6  }
0xf: {  	[smem:$0x3FB1] =	sst s7  }
0x10: {  	[smem:$0x3FB2] =	sst s8  }
0x11: {  	[smem:$0x3FB3] =	sst s9;
	s0 =	simm.s32 @!p0 $0x0  }
0x12: {  	s1 =	sld [smem:$0x3F99];
	s0 =	simm.s32 @p0 $0x1  }
0x13: {  	[smem:$0x3FB4] =	sst s0;
	s0 =	simm.s32 @!p1 $0x0  }
0x14: {  	s2 =	sld [smem:$0x3F98];
	s0 =	simm.s32 @p1 $0x1  }
0x15: {  	[smem:$0x3FB5] =	sst s0;
	s0 =	simm.s32 @!p2 $0x0  }
0x16: {  	s3 =	sld [smem:$0x3FDB];
	s0 =	simm.s32 @p2 $0x1  }
0x17: {  	s4 =	simm.s32 $0x1BF5;
	[smem:$0x3FB7] =	sst s0  }
0x18: {  	s0 =	sld [smem:$0x3F9A];
	_ =	swait.ge [sflag:s4], $0x0  }
0x19: {  	s7 =	sld [smem:$0x3F9B]  }
0x1a: {  	s8 =	sadd.s32 $0xFFFFE003, lr  }
0x1b: {  	s9 =	sadd.s32 $0xFFFFFEF7, lr;
	s5 =	simm.s32 $0xFFFFFFFF;
	p2 =	slt.u32 s8, $0xFFFFF086  }
0x1c: {  	p1 =	slt.u32 s9, $0xF7A;
	s5 =	simm.s32 @!p2 $0x0  }
0x1d: {  	s5 =	simm.s32 @p1 $0x1;
	p0 =	seq.s32 s7, s2  }
0x1e: {  	s7 =	smul.u32 @!p0 $0xF7A, s2;
	p2 =	seq.s32 @!p0 s5, $0x0  }
0x1f: {  	s9 =	smul.u32 $0xF7A, s1;
	s8 =	simm.s32 @!p0 $0x1BF5;
	p2 =	por !p2, p0  }
0x20: {  	[sflag:s8] =	ssyncset.s32 @!p0 $0xFFFFF086;
	s6 =	sadd.s32 @!p0 s3, s7;
	s7 =	simm.s32 @!p0 $0x108  }
0x21: {  	s3 =	sadd.s32 s3, s9;
	s6 =	sadd.s32 @!p0 $0x88, s6;
	s7 =	simm.s32 @p2 $0x1082  }
0x22: {  	[simem:s7], [sflag:s8] =	dma.local @!p0 [hbm:s6], $0xF7A  }
0x23: {  	s9 =	sor.u32 $0xD0000000, s2;
	s6 =	simm.s32 $0x108;
	_ =	swait.ge @!p0 [sflag:s8], $0x0  }
0x24: {  	s3 =	sadd.s32 $0x88, s3;
	s6 =	simm.s32 @!p1 $0x1082;
	[sflag:s4] =	ssyncset.s32 $0xFFFFF086  }
0x25: {  	[simem:s6], [sflag:s4] =	dma.local [hbm:s3], $0xF7A  }
0x26: {  	[smem:$0x3F9B] =	sst s1;
	(tag) =	ssettag s2;
	_ =	strace s9  }
0x27: {  	s1 =	sld [smem:$0x3FAB]  }
0x28: {  	s2 =	sld [smem:$0x3FAC]  }
0x29: {  	s4 =	sld [smem:$0x3FAE]  }
0x2a: {  	p0 =	seq.s32 s5, $0x0;
	s5 =	sld [smem:$0x3FAF]  }
0x2b: {  	s6 =	sld [smem:$0x3FB0]  }
0x2c: {  	s7 =	sld [smem:$0x3FB1]  }
0x2d: {  	s3 =	simm.s32 $0x108;
	s8 =	sld [smem:$0x3FB2]  }
0x2e: {  	s3 =	simm.s32 @!p0 $0x1082;
	s9 =	sld [smem:$0x3FB3]  }
0x2f: {  	lr =	sadd.s32 s0, s3;
	s0 =	sld [smem:$0x3FAA]  }
0x30: {  	s3 =	sld [smem:$0x3FAD]  }
0x31: {  	[smem:$0x3FB6] =	sst s10  }
0x32: {  	s10 =	sld [smem:$0x3FB4];
	_ =	sdelay $0x3  }
0x33: {  	p0 =	seq.s32 s10, $0x1;
	s10 =	sld [smem:$0x3FB6];
	_ =	sdelay $0x3  }
0x34: {  	[smem:$0x3FB6] =	sst s10  }
0x35: {  	s10 =	sld [smem:$0x3FB5];
	_ =	sdelay $0x3  }
0x36: {  	p1 =	seq.s32 s10, $0x1;
	s10 =	sld [smem:$0x3FB6];
	_ =	sdelay $0x3  }
0x37: {  	[smem:$0x3FB6] =	sst s10  }
0x38: {  	s10 =	sld [smem:$0x3FB7]  }
0x39: {  	_ = 	snop;
	(pc) =	sbr.ind lr, $3  }
0x3a: {  	_ = 	snop  }
0x3b: {  	_ = 	snop  }
0x3c: {  	p2 =	seq.s32 s10, $0x1;
	s10 =	sld [smem:$0x3FB6]  }
0x3d: {  	_ =	shalt  }
0x3e: {  	_ =	shalt  }
0x3f: {  	_ =	shalt  }
0x40: {  	_ =	shalt  }
0x41: {  	_ =	shalt  }
0x42: {  	_ =	shalt  }
0x43: {  	_ =	shalt  }
0x44: {  	_ =	shalt  }
0x45: {  	_ =	shalt  }
0x46: {  	_ =	shalt  }
0x47: {  	_ =	shalt  }
0x48: {  	_ =	shalt  }
0x49: {  	_ =	shalt  }
0x4a: {  	_ =	shalt  }
0x4b: {  	_ =	shalt  }
0x4c: {  	_ =	shalt  }
0x4d: {  	_ =	shalt  }
0x4e: {  	_ =	shalt  }
0x4f: {  	_ =	shalt  }
0x50: {  	_ =	shalt  }
0x51: {  	_ =	shalt  }
0x52: {  	_ =	shalt  }
0x53: {  	_ =	shalt  }
0x54: {  	_ =	shalt  }
0x55: {  	_ =	shalt  }
0x56: {  	_ =	shalt  }
0x57: {  	_ =	shalt  }
0x58: {  	_ =	shalt  }
0x59: {  	_ =	shalt  }
0x5a: {  	_ =	shalt  }
0x5b: {  	_ =	shalt  }
0x5c: {  	_ =	shalt  }
0x5d: {  	_ =	shalt  }
0x5e: {  	_ =	shalt  }
0x5f: {  	_ =	shalt  }
0x60: {  	_ =	shalt  }
0x61: {  	_ =	shalt  }
0x62: {  	_ =	shalt  }
0x63: {  	_ =	shalt  }
0x64: {  	_ =	shalt  }
0x65: {  	_ =	shalt  }
0x66: {  	_ =	shalt  }
0x67: {  	_ =	shalt  }
0x68: {  	_ =	shalt  }
0x69: {  	_ =	shalt  }
0x6a: {  	_ =	shalt  }
0x6b: {  	_ =	shalt  }
0x6c: {  	_ =	shalt  }
0x6d: {  	_ =	shalt  }
0x6e: {  	_ =	shalt  }
0x6f: {  	_ =	shalt  }
0x70: {  	_ =	shalt  }
0x71: {  	_ =	shalt  }
0x72: {  	_ =	shalt  }
0x73: {  	_ =	shalt  }
0x74: {  	_ =	shalt  }
0x75: {  	_ =	shalt  }
0x76: {  	_ =	shalt  }
0x77: {  	_ =	shalt  }
0x78: {  	_ =	shalt  }
0x79: {  	_ =	shalt  }
0x7a: {  	_ =	shalt  }
0x7b: {  	_ =	shalt  }
0x7c: {  	_ =	shalt  }
0x7d: {  	_ =	shalt  }
0x7e: {  	_ =	shalt  }
0x7f: {  	_ =	shalt  }
0x80: {  	_ =	shalt  }
0x81: {  	_ =	shalt  }
0x82: {  	_ =	shalt  }
0x83: {  	_ =	shalt  }
0x84: {  	_ =	shalt  }
0x85: {  	_ =	shalt  }
0x86: {  	_ =	shalt  }
0x87: {  	_ =	shalt  }
.Lfunc_end0:
.L_simem_size_0:
called_computation_lowered:
.L_overlay_start_0:
0x88: {  	s2 =	sld [smem:$0x3FD9]  }
0x89: {  	s3 =	sld [smem:$0x3FFE];
	_ =	sdelay $0x1  }
0x8a: {  	s1 =	srdreg.scid  }
0x8b: {  	s0 =	sand.u32 $0x1, s1  }
0x8c: {  	s14 =	sshll.u32 s0, $0xA;
	s2 =	sadd.s32 s3, s2  }
0x8d: {  	s2 =	sadd.s32 s2, s14  }
0x8e: {  	[smem:$0x3FC2] =	sst s2  }
0x8f: {  	_ = 	snop  }
0x90: {  	s2 =	sld [smem:$0x3FD0];
	_ =	sdelay $0x2  }
0x91: {  	s15 =	simm.s32 $0xA;
	s4 =	simm.s32 $0x10  }
0x92: {  	[smem:s4], [sflag:s15] =	dma.local [hbm:s2], $0x1  }
0x93: {  	_ =	swait.eq [sflag:s15], $0x1  }
0x94: {  	[sflag:s15] =	ssyncset.done $0x0  }
0x95: {  	s16 =	sld [smem:$0x10];
	[sflag:s15] =	ssyncadd.s32 $0xFFFFFFFF  }
0x96: {  	s17 =	sld [smem:$0x11];
	(tm) =	ssettm $0x1  }
0x97: {  	s18 =	sld [smem:$0x3FFB];
	_ =	sdelay $0x3  }
0x98: {  	_ =	strace s18  }
0x99: {  	s4 =	sld [smem:$0x3FFC];
	_ =	sdelay $0x3  }
0x9a: {  	_ =	strace s4  }
0x9b: {  	s4 =	sld [smem:$0x3FFD];
	_ =	sdelay $0x3  }
0x9c: {  	_ =	strace s4  }
0x9d: {  	_ =	strace $0x8FFFFFFF  }
0x9e: {  	s19 =	sld [smem:$0x3FDB];
	_ =	sdelay $0x1  }
0x9f: {  	s5 =	simm.s32 $_scs_section_size  }
0xa0: {  	s6 =	simm.s32 $_size__tile_overlayer_lowered;
	s7 =	simm.s32 $_tile_overlayer_lowered  }
0xa1: {  	s22 =	simm.s32 $0x1BFF;
	s21 =	sshll.u32 s7, $0x1;
	s4 =	sadd.s32 s5, s19  }
0xa2: {  	s8 =	simm.s32 $0x0;
	s20 =	sshll.u32 s6, $0x1;
	s6 =	sadd.s32 s21, s4  }
0xa3: {  	[timem:s8], [sflag:s22] =	dma.local [hbm:s6], s20  }
0xa4: {  	_ =	swait.ge [sflag:s22], s20  }
0xa5: {  	s5 =	ssub.s32 $0x0, s20;
	[sflag:s22] =	ssyncset.done $0x0  }
0xa6: {  	[sflag:s22] =	ssyncadd.s32 s5;
	_ =	sdelay $0x1  }
0xa7: {  	s23 =	simm.s32 $0x1B8B  }
0xa8: {  	_ =	swait.ge [sflag:s23], $0x1  }
0xa9: {  	[sflag:s23] =	ssyncset.done $0x0  }
0xaa: {  	s25 =	simm.s32 $0x1B8E;
	s24 =	sld [smem:$0x3FFE];
	[sflag:s23] =	ssyncadd.s32 $0xFFFFFFFF  }
0xab: {  	s26 =	simm.s32 $execute0_lowered;
	[smem:$0x3FD2] =	sst s25  }
0xac: {  	s6 =	sshll.u32 s26, $0x1;
	_ =	strace $0x80000046;
	[dreg:$0x1] =	wrdreg $0xFFFFFFFF  }
0xad: {  	s28 =	simm.s32 $_size_execute0_lowered;
	s4 =	sadd.s32 s4, s6;
	[dreg:$0x0] =	wrdreg $0x0  }
0xae: {  	s6 =	sshll.u32 s28, $0x1;
	[dreg:$0x2] =	wrdreg s4  }
0xaf: {  	[dreg:$0x3] =	wrdreg s6  }
0xb0: {  	[dreg:$0x4] =	wrdreg $0xC0  }
0xb1: {  	_ =	task [dreg:s8], $0x5FFFF  }
0xb2: {  	[dreg:$0x1] =	wrdreg $0xFFFFFFFF  }
0xb3: {  	[dreg:$0x0] =	wrdreg $0x60  }
0xb4: {  	[dreg:$0x2] =	wrdreg s16  }
0xb5: {  	[dreg:$0x3] =	wrdreg s24  }
0xb6: {  	[dreg:$0x4] =	wrdreg s17  }
0xb7: {  	[dreg:$0x5] =	wrdreg $0x9  }
0xb8: {  	_ =	task.clear_ibuf [dreg:s8], $0x6FFFF;
	_ =	strace $0x90000046  }
0xb9: {  	s29 =	simm.s32 $0x9;
	_ =	strace $0x80000048  }
0xba: {  	_ =	swait.ge [sflag:s29], $0x1  }
0xbb: {  	[sflag:s29] =	ssyncadd.s32 $0xFFFFFFFF  }
0xbc: {  	_ =	strace $0x90000048  }
0xbd: {  	_ =	sfence  }
0xbe: {  	s30 =	sld [smem:$0x0];
	_ =	sdelay $0x2  }
0xbf: {  	s31 =	sshll.u32 s1, $0xD;
	s1 =	sshrl.u32 s1, $0x2  }
0xc0: {  	s3 =	sand.u32 $0x4000, s31;
	s1 =	sadd.s32 s1, s30  }
0xc1: {  	s0 =	sor.u32 s3, s0;
	s1 =	sshll.u32 s1, $0x11  }
0xc2: {  	s0 =	sor.u32 s1, s0  }
0xc3: {  	s0 =	sadd.s32 $0x8F2B, s0  }
0xc4: {  	[sflag:s0] =	ssyncadd.remote.s32 $0x1  }
0xc5: {  	_ =	sfence.sel $0xFFFF  }
0xc6: {  	[dreg:$0x0] =	wrdreg $0xFFFFFFFF;
	(pc) =	sbr.abs _section_cstart, $3  }
0xc7: {  	[dreg:$0x1] =	wrdreg $0xFFFFFFFF  }
0xc8: {  	_ =	task.clear_ibuf [dreg:s8], $0x2FFFF;
	_ =	strace $0x9FFFFFFF  }
0xc9: {  	(tm) =	ssettm $0x7FFFFFFF  }
tec
execute0_lowered:
.L_overlay_start_1:
0x0: {  	(tag) =	ssettag $0x1  }
0x1: {  	s0 =	srdreg.scid  }
0x2: {  	s4 =	sand.u32 $0x1, s0;
	s0 =	stileid.u32  }
0x3: {  	s6 =	sor.u32 s0, s4  }
0x4: {  	p0 =	sne.s32 s6, $0x0  }
.Ltmp0:
0x5: {  	_ = 	snop;
	(pc) =	sbr.rel @p0 .LBB2_3-.Ltmp0, $4  }
0x6: {  	s1 =	rddreg [dreg:$0x0]  }
0x7: {  	s5 =	rddreg [dreg:$0x1]  }
0x8: {  	s3 =	rddreg [dreg:$0x2]  }
0x9: {  	s2 =	rddreg [dreg:$0x3];
	_ =	strace $0x80000047  }
0xa: {  	v0 =	vimm.s32 $0x0;
	v1 =	vimm.s32 $0x2;
	v2 =	vimm.s32 $0x3  }
0xb: {  	v3 =	vimm.s32 $0x4;
	v4 =	vimm.s32 $0x5;
	v5 =	vimm.s32 $0x6  }
0xc: {  	v6 =	vimm.s32 $0x7;
	v7 =	vlaneseq.u32;
	v8 =	vimm.f32 $0.0e+00  }
0xd: {  	v9 =	vimm.s32 $0x1;
	vm4 =	vcmask $0x3F14;
	vm5 =	vcmask $0x3F18  }
0xe: {  	vm6 =	vcmask $0x3F1C;
	vm7 =	vcmask $0x3F20;
	v10 =	vimm.s32 $0x8  }
0xf: {  	vm8 =	vcmask $0x3F24;
	v11 =	vimm.s32 $0x9;
	vm9 =	vcmask $0x3F28  }
0x10: {  	s6 =	ssub.s32 $0x2, s4;
	v12 =	vimm.s32 $0xA;
	vm10 =	vcmask $0x3F2C;
	v13 =	vimm.s32 $0xB  }
0x11: {  	s4 =	sadd.s32 $0x1600, s5;
	s5 =	sadd.s32 $0x1800, s5;
	vm11 =	vcmask $0x3F30;
	v14 =	vimm.s32 $0xC;
	vm12 =	vcmask $0x3F34;
	s8 =	simm.s32 $0x1  }
0x12: {  	v15 =	vimm.s32 $0xD;
	vm13 =	vcmask $0x3F38;
	v16 =	vimm.s32 $0xE;
	s9 =	simm.s32 $0x400;
	s10 =	simm.s32 $0x480;
	s7 =	sshrl.u32 s6, $0x1  }
0x13: {  	vm14 =	vcmask $0x3F3C;
	v17 =	vimm.s32 $0xF;
	vm15 =	vmmov $0xff;
	s11 =	simm.s32 $0x500;
	s6 =	ssub.s32 s6, s7;
	s7 =	simm.s32 $0x0  }
.LBB2_2:
0x14: {  	[tilespmem:s7], [sflag:$0x1] =	stream.linear.gather [hbm4b:s1+s7], $0x400, $0x38;
	[tilespmem:$0x580] =	vst v63  }
0x15: {  	_ =	swait.ge [sflag:s8], $0x400  }
0x16: {  	[sflag:s8] =	ssyncset.done $0x0  }
0x17: {  	[sflag:s8] =	ssyncadd.s32 $0xFFFFFC00  }
0x18: {  	v18 =	vld [tilespmem:$0x0]  }
0x19: {  	v19 =	vld [tilespmem:$0x80];
	_ =	sdelay $0x1  }
0x1a: {  	v20 =	vld [tilespmem:$0x100];
	_ =	sdelay $0x1  }
0x1b: {  	v21 =	vld [tilespmem:$0x180]  }
0x1c: {  	vm0 =	vgt.f32 v19, v18  }
0x1d: {  	v18 =	vsel vm0, v19, v18;
	v19 =	vld [tilespmem:$0x200]  }
0x1e: {  	vm1 =	vgt.f32 v20, v18  }
0x1f: {  	v33 =	vld [tilespmem:$0x280];
	v18 =	vsel vm1, v20, v18  }
0x20: {  	vm2 =	vgt.f32 v21, v18  }
0x21: {  	v34 =	vld [tilespmem:$0x300];
	v18 =	vsel vm2, v21, v18  }
0x22: {  	vm3 =	vgt.f32 v19, v18  }
0x23: {  	v22 =	vsel vm0, $0x1, v0;
	v18 =	vsel vm3, v19, v18;
	v19 =	vld [tilespmem:$0x380]  }
0x24: {  	v22 =	vsel vm1, $0x2, v22;
	vm0 =	vgt.f32 v33, v18  }
0x25: {  	v22 =	vsel vm2, $0x3, v22;
	v18 =	vsel vm0, v33, v18  }
0x26: {  	v35 =	vsel vm3, $0x4, v22;
	vm1 =	vgt.f32 v34, v18  }
0x27: {  	v20 =	vsel vm0, $0x5, v35;
	v18 =	vsel vm1, v34, v18  }
0x28: {  	v20 =	vsel vm1, $0x6, v20;
	vm0 =	vgt.f32 v19, v18  }
0x29: {  	v18 =	vsel vm0, $0x7, v20  }
0x2a: {  	v19 =	vperm.xlane v18, v0  }
0x2b: {  	v20 =	vperm.xlane v18, v9;
	v37 =	vperm.xlane v18, v1  }
0x2c: {  	v39 =	vperm.xlane v18, v2;
	v43 =	vperm.xlane v18, v3  }
0x2d: {  	vm2 =	vcmask $0x3F04;
	v45 =	vperm.xlane v18, v4;
	v49 =	vperm.xlane v18, v5  }
0x2e: {  	vm3 =	vcmask $0x3F0C;
	v52 =	vperm.xlane v18, v6;
	v54 =	vperm.xlane v18, v10  }
0x2f: {  	v58 =	vperm.xlane v18, v11;
	v61 =	vperm.xlane v18, v12;
	vm0 =	veq.s32 v19, v7  }
0x30: {  	v63 =	vperm.xlane v18, v13;
	v36 =	vsel vm0, $0x3F800000, v8;
	vm0 =	veq.s32 v19, v18  }
0x31: {  	v31 =	vperm.xlane v18, v14;
	vm1 =	vlt.s32 v19, v18;
	vm0 =	vmand vm0, vm2  }
0x32: {  	v34 =	vperm.xlane v18, v15;
	vm2 =	veq.s32 v20, v7;
	vm0 =	vmor vm1, vm0  }
0x33: {  	v19 =	vsel vm2, $0x3F800000, v8;
	vm1 =	vlt.s32 v20, v18;
	vm2 =	vcmask $0x3F08  }
0x34: {  	v23 =	vsel vm0, $0x1, v0;
	v19 =	vadd.f32 v19, v36;
	vm0 =	veq.s32 v20, v18  }
0x35: {  	v36 =	vperm.xlane v18, v16;
	vm0 =	vmand vm0, vm2;
	vm2 =	veq.s32 v37, v7  }
0x36: {  	vm0 =	vmor vm1, vm0;
	v38 =	vsel vm2, $0x3F800000, v8;
	vm1 =	veq.s32 v37, v18  }
0x37: {  	vm2 =	vlt.s32 v37, v18;
	vm1 =	vmand vm1, vm3;
	v40 =	vsel vm0, $0x1, v0  }
0x38: {  	vm0 =	vmor vm2, vm1;
	vm1 =	veq.s32 v39, v18;
	vm2 =	vcmask $0x3F10  }
0x39: {  	v42 =	vadd.s32 v40, v23;
	v41 =	vsel vm0, $0x1, v0;
	vm0 =	veq.s32 v39, v7  }
0x3a: {  	vm1 =	vmand vm1, vm2;
	v24 =	vsel vm0, $0x3F800000, v8;
	vm0 =	vlt.s32 v39, v18  }
0x3b: {  	v19 =	vadd.f32 v38, v19;
	v20 =	vadd.s32 v41, v42;
	vm0 =	vmor vm0, vm1  }
0x3c: {  	vm1 =	veq.s32 v43, v18;
	v44 =	vsel vm0, $0x1, v0;
	vm0 =	veq.s32 v43, v7  }
0x3d: {  	vm1 =	vmand vm1, vm4;
	v46 =	vsel vm0, $0x3F800000, v8;
	vm0 =	vlt.s32 v43, v18  }
0x3e: {  	v19 =	vadd.f32 v24, v19;
	v20 =	vadd.s32 v44, v20;
	vm0 =	vmor vm0, vm1  }
0x3f: {  	vm1 =	veq.s32 v45, v7;
	v47 =	vsel vm0, $0x1, v0;
	vm0 =	veq.s32 v45, v18  }
0x40: {  	v48 =	vsel vm1, $0x3F800000, v8;
	vm1 =	vlt.s32 v45, v18;
	vm0 =	vmand vm0, vm5  }
0x41: {  	v19 =	vadd.f32 v46, v19;
	v20 =	vadd.s32 v47, v20;
	vm0 =	vmor vm1, vm0  }
0x42: {  	vm1 =	veq.s32 v49, v18;
	v50 =	vsel vm0, $0x1, v0;
	vm0 =	veq.s32 v49, v7  }
0x43: {  	vm1 =	vmand vm1, vm6;
	v51 =	vsel vm0, $0x3F800000, v8;
	vm0 =	vlt.s32 v49, v18  }
0x44: {  	v19 =	vadd.f32 v48, v19;
	v20 =	vadd.s32 v50, v20;
	vm0 =	vmor vm0, vm1  }
0x45: {  	vm1 =	veq.s32 v52, v18;
	v53 =	vsel vm0, $0x1, v0;
	vm0 =	veq.s32 v52, v7  }
0x46: {  	vm1 =	vmand vm1, vm7;
	v55 =	vsel vm0, $0x3F800000, v8;
	vm0 =	vlt.s32 v52, v18  }
0x47: {  	v19 =	vadd.f32 v51, v19;
	v20 =	vadd.s32 v53, v20;
	vm0 =	vmor vm0, vm1  }
0x48: {  	vm1 =	veq.s32 v54, v7;
	v56 =	vsel vm0, $0x1, v0;
	vm0 =	veq.s32 v54, v18  }
0x49: {  	v57 =	vsel vm1, $0x3F800000, v8;
	vm1 =	vlt.s32 v54, v18;
	vm0 =	vmand vm0, vm8  }
0x4a: {  	v19 =	vadd.f32 v55, v19;
	v20 =	vadd.s32 v56, v20;
	vm0 =	vmor vm1, vm0  }
0x4b: {  	vm1 =	veq.s32 v58, v18;
	v59 =	vsel vm0, $0x1, v0;
	vm0 =	veq.s32 v58, v7  }
0x4c: {  	vm1 =	vmand vm1, vm9;
	v60 =	vsel vm0, $0x3F800000, v8;
	vm0 =	vlt.s32 v58, v18  }
0x4d: {  	v19 =	vadd.f32 v57, v19;
	v20 =	vadd.s32 v59, v20;
	vm0 =	vmor vm0, vm1  }
0x4e: {  	vm1 =	veq.s32 v61, v18;
	v62 =	vsel vm0, $0x1, v0;
	vm0 =	veq.s32 v61, v7  }
0x4f: {  	vm1 =	vmand vm1, vm10;
	v28 =	vsel vm0, $0x3F800000, v8;
	vm0 =	vlt.s32 v61, v18  }
0x50: {  	v19 =	vadd.f32 v60, v19;
	v20 =	vadd.s32 v62, v20;
	vm0 =	vmor vm0, vm1  }
0x51: {  	vm1 =	veq.s32 v63, v7;
	v29 =	vsel vm0, $0x1, v0;
	vm0 =	veq.s32 v63, v18  }
0x52: {  	v30 =	vsel vm1, $0x3F800000, v8;
	vm1 =	vlt.s32 v63, v18;
	vm0 =	vmand vm0, vm11  }
0x53: {  	v19 =	vadd.f32 v28, v19;
	v20 =	vadd.s32 v29, v20;
	vm0 =	vmor vm1, vm0  }
0x54: {  	vm1 =	veq.s32 v31, v18;
	v32 =	vsel vm0, $0x1, v0;
	vm0 =	veq.s32 v31, v7  }
0x55: {  	vm1 =	vmand vm1, vm12;
	v33 =	vsel vm0, $0x3F800000, v8;
	vm0 =	vlt.s32 v31, v18  }
0x56: {  	v19 =	vadd.f32 v30, v19;
	v20 =	vadd.s32 v32, v20;
	vm0 =	vmor vm0, vm1  }
0x57: {  	vm1 =	veq.s32 v34, v18;
	v35 =	vsel vm0, $0x1, v0;
	vm0 =	veq.s32 v34, v7  }
0x58: {  	vm1 =	vmand vm1, vm13;
	v37 =	vsel vm0, $0x3F800000, v8;
	vm0 =	vlt.s32 v34, v18  }
0x59: {  	v19 =	vadd.f32 v33, v19;
	vm0 =	vmor vm0, vm1;
	vm1 =	veq.s32 v36, v18  }
0x5a: {  	v25 =	vsel vm0, $0x1, v0;
	vm0 =	vlt.s32 v36, v18;
	vm1 =	vmand vm1, vm14  }
0x5b: {  	v38 =	vperm.xlane v18, v17;
	v20 =	vadd.s32 v35, v20;
	vm0 =	vmor vm0, vm1  }
0x5c: {  	v19 =	vadd.f32 v37, v19;
	v40 =	vsel vm0, $0x1, v0;
	vm0 =	veq.s32 v36, v7  }
0x5d: {  	vm1 =	vlt.s32 v38, v18;
	v20 =	vadd.s32 v25, v20;
	v41 =	vsel vm0, $0x3F800000, v8  }
0x5e: {  	v39 =	vsel vm1, $0x1, v0;
	vm0 =	veq.s32 v38, v7;
	v19 =	vadd.f32 v41, v19  }
0x5f: {  	v20 =	vadd.s32 v39, v20;
	v22 =	vsel vm0, $0x3F800000, v8  }
0x60: {  	v20 =	vadd.s32 v40, v20;
	v19 =	vadd.f32 v22, v19  }
0x61: {  	v42 =	vperm.xlane v20, v9  }
0x62: {  	v43 =	vperm.xlane v20, v1;
	v44 =	vperm.xlane v20, v2;
	v19 =	vadd.f32 $-2.000000000e+00, v19  }
0x63: {  	v46 =	vperm.xlane v20, v3;
	v47 =	vperm.xlane v20, v4  }
0x64: {  	v48 =	vperm.xlane v20, v5;
	v49 =	vperm.xlane v20, v6;
	v19 =	vnsel vm15, $0x0, v19  }
0x65: {  	v24 =	vperm.xlane v20, v10;
	vm0 =	veq.s32 v42, v7;
	v19 =	vmul.f32 v19, v19  }
0x66: {  	v53 =	vperm.xlane v20, v11;
	v45 =	vsel vm0, $0x1, v0;
	vm0 =	veq.s32 v43, v7  }
0x67: {  	v22 =	vsel vm0, $0x2, v45;
	vm0 =	veq.s32 v44, v7;
	v50 =	vperm.xlane v19, v0  }
0x68: {  	v55 =	vperm.xlane v20, v12;
	v57 =	vperm.xlane v20, v13;
	v21 =	vsel vm0, $0x3, v22  }
0x69: {  	vm0 =	veq.s32 v46, v7;
	v52 =	vperm.xlane v19, v9;
	v51 =	vadd.f32 $0.0e+00, v50  }
0x6a: {  	v59 =	vperm.xlane v20, v14;
	v61 =	vperm.xlane v20, v15;
	v21 =	vsel vm0, $0x4, v21  }
0x6b: {  	vm0 =	veq.s32 v47, v7;
	v54 =	vperm.xlane v19, v1;
	v22 =	vadd.f32 v52, v51  }
0x6c: {  	v63 =	vperm.xlane v20, v16;
	v20 =	vperm.xlane v20, v17;
	v21 =	vsel vm0, $0x5, v21  }
0x6d: {  	vm0 =	veq.s32 v48, v7;
	v56 =	vperm.xlane v19, v2;
	v22 =	vadd.f32 v54, v22  }
0x6e: {  	v21 =	vsel vm0, $0x6, v21;
	vm0 =	veq.s32 v49, v7;
	v58 =	vperm.xlane v19, v3  }
0x6f: {  	v21 =	vsel vm0, $0x7, v21;
	vm0 =	veq.s32 v24, v7;
	v22 =	vadd.f32 v56, v22  }
0x70: {  	v60 =	vperm.xlane v19, v4;
	v21 =	vsel vm0, $0x8, v21;
	vm0 =	veq.s32 v53, v7  }
0x71: {  	v21 =	vsel vm0, $0x9, v21;
	vm0 =	veq.s32 v55, v7;
	v22 =	vadd.f32 v58, v22  }
0x72: {  	v62 =	vperm.xlane v19, v5;
	v21 =	vsel vm0, $0xA, v21;
	vm0 =	veq.s32 v57, v7  }
0x73: {  	v21 =	vsel vm0, $0xB, v21;
	vm0 =	veq.s32 v59, v7;
	v22 =	vadd.f32 v60, v22  }
0x74: {  	v19 =	vperm.xlane v19, v6;
	v21 =	vsel vm0, $0xC, v21;
	vm0 =	veq.s32 v61, v7  }
0x75: {  	v21 =	vsel vm0, $0xD, v21;
	vm0 =	veq.s32 v63, v7;
	v22 =	vadd.f32 v62, v22  }
0x76: {  	v21 =	vsel vm0, $0xE, v21;
	vm0 =	veq.s32 v20, v7  }
0x77: {  	v20 =	vsel vm0, $0xF, v21;
	v19 =	vadd.f32 v19, v22  }
0x78: {  	v18 =	vperm.xlane v18, v20  }
0x79: {  	[tilespmem:$0x400] =	vst v20;
	v19 =	vmul.f32 $7.142857460e-02, v19  }
0x7a: {  	[tilespmem:$0x480] =	vst v18  }
0x7b: {  	[tilespmem:$0x500] =	vst v19  }
0x7c: {  	[hbm4b:s4+s7] =	stream.linear.scatter [tilespmem:s9], [sflag:$0x1], $0x80, $0x38;
	[tilespmem:$0x580] =	vst v63  }
0x7d: {  	_ =	swait.ge [sflag:s8], $0x80  }
0x7e: {  	[sflag:s8] =	ssyncset.done $0x0  }
0x7f: {  	[sflag:s8] =	ssyncadd.s32 $0xFFFFFF80  }
0x80: {  	[hbm4b:s5+s7] =	stream.linear.scatter [tilespmem:s10], [sflag:$0x1], $0x80, $0x38;
	[tilespmem:$0x580] =	vst v63  }
0x81: {  	_ =	swait.ge [sflag:s8], $0x80  }
0x82: {  	p0 =	sne.s32 s6, $0x1;
	[sflag:s8] =	ssyncset.done $0x0  }
.Ltmp1:
0x83: {  	[sflag:s8] =	ssyncadd.s32 $0xFFFFFF80;
	(pc) =	sbr.rel @p0 .LBB2_2-.Ltmp1, $4  }
0x84: {  	[hbm4b:s3+s7] =	stream.linear.scatter [tilespmem:s11], [sflag:$0x1], $0x80, $0x38;
	[tilespmem:$0x580] =	vst v63  }
0x85: {  	_ =	swait.ge [sflag:s8], $0x80  }
0x86: {  	[sflag:s8] =	ssyncset.done $0x0  }
0x87: {  	s6 =	sadd.s32 $0xFFFFFFFF, s6;
	[sflag:s8] =	ssyncadd.s32 $0xFFFFFF80  }
.LBB2_3:
0x88: {  	_ =	sfence.sel $0x180000  }
0x89: {  	[bflag:$0x0] =	sbarrier.arrive $0xFFFF  }
0x8a: {  	p0 =	sne.s32 s0, $0x0;
	_ =	strace $0x90000047  }
0x8b: {  	s0 =	sadd.s32 @!p0 $0x100000, s2;
	[bflag:$0x2] =	sbarrier.arrive $0xFFFF  }
0x8c: {  	[sflag:s0] =	ssyncadd.tile.s32 @!p0 $0x1;
	_ =	shalt  }
.Lfunc_end2:
_tile_overlayer_lowered:
.L_overlay_start_2:
0x8d: {  	(tag) =	ssettag $0x2  }
0x8e: {  	s0 =	rddreg [dreg:$0x0];
	s2 =	stileid.u32  }
0x8f: {  	s1 =	rddreg [dreg:$0x1];
	p0 =	sne.s32 s2, $0x0  }
0x90: {  	s3 =	rddreg [dreg:$0x2];
	[bflag:$0x3] =	sbarrier.arrive $0xFFFF;
	s2 =	simm.s32 @!p0 $0x1C01  }
0x91: {  	[timem:s3], [sflag:s2] =	dma.local @!p0 [hbm:s0], s1  }
0x92: {  	s0 =	simm.s32 @!p0 $0x1  }
0x93: {  	_ =	swait.ge @!p0 [sflag:s0], s1  }
0x94: {  	s1 =	ssub.s32 @!p0 $0x0, s1;
	[sflag:s0] =	ssyncset.done @!p0 $0x0  }
0x95: {  	[sflag:s0] =	ssyncadd.s32 @!p0 s1  }
0x96: {  	[bflag:$0x3] =	sbarrier.arrive $0xFFFF  }
0x97: {  	_ =	shalt  }

</sc_bundles>
